<compile_context>
chip_gen: v7x
topology: tpu7x:2x2x1
jax: 0.10.2.dev20260603
libtpu: 0.0.44.dev20260713+nightly
codegen_flags: <defaults>
</compile_context>

<pallas_src>
import jax
import jax.numpy as jnp
from jax.experimental import pallas as pl
from jax.experimental.pallas import tpu as pltpu
from jax.experimental.pallas import tpu_sc as plsc

NUM_CLASSES = 18
TOPK = 200
SP_SCORE_THR = 0.55
SCORE_THR = 0.0
NPOINT_THR = 100
NSP = 4096
NPTS = 100000
NPTS_PAD = 102400
NWORDS = 7
HI = jax.lax.Precision.HIGHEST
_PC = pl.pallas_call

NW = 32
PTS_PER_W = NPTS_PAD // NW
LAST_BASE = NPTS - PTS_PER_W


def _dense_body(cls_ref, masks_ref, counts_ref, scores_ref, labels_ref,
                words_ref):
    cls_preds = cls_ref[...]
    pred_masks = masks_ref[...]
    q = cls_preds.shape[0]

    m = jnp.max(cls_preds, axis=1, keepdims=True)
    e = jnp.exp(cls_preds - m)
    s_all = e / jnp.sum(e, axis=1, keepdims=True)
    s = s_all[:, :NUM_CLASSES]

    bits = jax.lax.bitcast_convert_type(s, jnp.int32)
    flat_idx = (jax.lax.broadcasted_iota(jnp.int32, (q, NUM_CLASSES), 0)
                * NUM_CLASSES
                + jax.lax.broadcasted_iota(jnp.int32, (q, NUM_CLASSES), 1))

    def tbody(i, T):
        cand = T | (1 << (30 - i))
        c = jnp.sum((bits > cand).astype(jnp.int32))
        return jnp.where(c >= TOPK, cand, T)
    T = jax.lax.fori_loop(0, 31, tbody, jnp.int32(0))
    gt = bits > T
    tie = bits == T
    n1 = jnp.sum(gt.astype(jnp.int32))

    def kbody(i, K):
        cand = K | (1 << (12 - i))
        g = n1 + jnp.sum((tie & (flat_idx < cand)).astype(jnp.int32))
        return jnp.where(g <= TOPK - 1, cand, K)
    K = jax.lax.fori_loop(0, 13, kbody, jnp.int32(0))
    sel = gt | (tie & (flat_idx < K + 1))

    self_f = sel.astype(jnp.float32)
    row_cnt = jnp.sum(self_f, axis=1, keepdims=True)
    ql = jax.lax.broadcasted_iota(jnp.int32, (q, q), 0)
    qc = jax.lax.broadcasted_iota(jnp.int32, (q, q), 1)
    Lstrict = (qc < ql).astype(jnp.float32)
    row_excl = jax.lax.dot_general(Lstrict, row_cnt, (((1,), (0,)), ((), ())),
                                   precision=HI)
    cl = jax.lax.broadcasted_iota(jnp.int32, (NUM_CLASSES, NUM_CLASSES), 0)
    cc = jax.lax.broadcasted_iota(jnp.int32, (NUM_CLASSES, NUM_CLASSES), 1)
    Wtri = (cl < cc).astype(jnp.float32)
    in_row = jax.lax.dot_general(self_f, Wtri, (((1,), (0,)), ((), ())),
                                 precision=HI)
    rank = row_excl + in_row

    r_iota = jax.lax.broadcasted_iota(jnp.int32, (1, TOPK), 1).astype(
        jnp.float32)
    M = jnp.zeros((q, TOPK), jnp.float32)
    Lacc = jnp.zeros((q, TOPK), jnp.float32)
    Sacc = jnp.zeros((q, TOPK), jnp.float32)
    for c in range(NUM_CLASSES):
        oh = jnp.where((rank[:, c:c + 1] == r_iota) & sel[:, c:c + 1],
                       1.0, 0.0)
        M = M + oh
        Lacc = Lacc + oh * float(c)
        Sacc = Sacc + oh * s[:, c:c + 1]
    labels0 = jnp.sum(Lacc, axis=0, keepdims=True)
    tscores = jnp.sum(Sacc, axis=0, keepdims=True)

    mask_sel = jax.lax.dot_general(M, pred_masks, (((0,), (0,)), ((), ())),
                                   precision=HI)
    mask_sig = 1.0 / (1.0 + jnp.exp(-mask_sel))
    pos = (mask_sel > 0).astype(jnp.float32)
    ms = (jnp.sum(mask_sig * pos, axis=1, keepdims=True)
          / (jnp.sum(pos, axis=1, keepdims=True) + 1e-6))
    s0_col = jnp.transpose(tscores) * ms
    s0_row = jnp.transpose(s0_col)
    labels_col = jnp.transpose(labels0)

    il = jax.lax.broadcasted_iota(jnp.int32, (TOPK, TOPK), 0)
    ic = jax.lax.broadcasted_iota(jnp.int32, (TOPK, TOPK), 1)

    cmp2 = (s0_row > s0_col) | ((s0_row == s0_col) & (ic < il))
    rk2_col = jnp.sum(cmp2.astype(jnp.float32), axis=1, keepdims=True)
    rk2_row = jnp.transpose(rk2_col)

    area = jnp.sum(mask_sig, axis=1, keepdims=True)
    inter = jax.lax.dot_general(mask_sig, mask_sig, (((1,), (1,)), ((), ())))
    union = area + jnp.transpose(area) - inter
    prec = (rk2_col < rk2_row) & (labels_col == jnp.transpose(labels_col))
    diou = jnp.where(prec, inter / (union + 1e-12), 0.0)
    comp = jnp.max(diou, axis=0, keepdims=True)
    dmat = (1.0 - diou) / (1.0 - jnp.transpose(comp))
    dcoef = jnp.min(dmat, axis=0, keepdims=True)
    sf = s0_col * jnp.transpose(dcoef)

    counts = jnp.sum(counts_ref[...].astype(jnp.float32), axis=0,
                     keepdims=True)
    sp_bin = jnp.where(mask_sig > SP_SCORE_THR, 1.0, 0.0)
    npoint = jnp.sum(sp_bin * counts, axis=1, keepdims=True)
    keep = (sf > SCORE_THR) & (npoint > NPOINT_THR)
    sk_col = jnp.where(keep, sf, 0.0)
    sk_row = jnp.transpose(sk_col)

    cmp3 = (sk_row > sk_col) | ((sk_row == sk_col) & (rk2_row < rk2_col))
    rkf = jnp.sum(cmp3.astype(jnp.float32), axis=1, keepdims=True)
    Pfin = jnp.where(jnp.transpose(rkf) == il.astype(jnp.float32), 1.0, 0.0)

    scores_ref[...] = jax.lax.dot_general(
        Pfin, sk_col, (((1,), (0,)), ((), ())), precision=HI)
    labels_ref[...] = jax.lax.dot_general(
        Pfin, labels_col, (((1,), (0,)), ((), ()))).astype(jnp.int32)
    keep_p = jax.lax.dot_general(Pfin, keep.astype(jnp.float32),
                                 (((1,), (0,)), ((), ())))
    fb = jax.lax.dot_general(Pfin, sp_bin,
                             (((1,), (0,)), ((), ()))) * keep_p

    hl = jax.lax.broadcasted_iota(jnp.int32, (16, TOPK), 0)
    hc = jax.lax.broadcasted_iota(jnp.int32, (16, TOPK), 1)
    amt = hc - 16 * hl
    valid = (amt >= 0) & (amt < 16)
    Wm = jnp.where(valid,
                   jax.lax.shift_left(jnp.int32(1), jnp.clip(amt, 0, 15))
                   .astype(jnp.float32), 0.0)
    pack16 = jax.lax.dot_general(Wm, fb, (((1,), (0,)), ((), ()))
                                 ).astype(jnp.int32)
    rows = [pack16[2 * j:2 * j + 1] | (pack16[2 * j + 1:2 * j + 2] << 16)
            for j in range(NWORDS)]
    words_ref[...] = jnp.concatenate(rows, axis=0)


def _worker_base():
    wid = (jax.lax.axis_index("s") * 2 + jax.lax.axis_index("c")).astype(
        jnp.int32)
    return wid, jnp.minimum(wid * PTS_PER_W, LAST_BASE)


def _sc_hist_body(sp_hbm, counts_hbm, sp_v, bins_v):
    wid, base = _worker_base()
    pltpu.sync_copy(sp_hbm.at[pl.ds(base, PTS_PER_W)], sp_v)

    def zb(i, c):
        bins_v[pl.ds(i * 16, 16)] = jnp.zeros((16,), jnp.int32)
        return c
    jax.lax.fori_loop(0, NSP // 16, zb, jnp.int32(0))

    lane = jax.lax.broadcasted_iota(jnp.int32, (16,), 0)
    thresh = jnp.where(wid == NW - 1, NW * PTS_PER_W - NPTS, 0)

    def hb(i, c):
        spv = sp_v[pl.ds(i * 16, 16)]
        valid = (lane + i * 16) >= thresh
        cnt, last = plsc.scan_count(spv, valid)
        plsc.addupdate_scatter(bins_v, [spv], cnt, mask=last & valid)
        return c
    jax.lax.fori_loop(0, PTS_PER_W // 16, hb, jnp.int32(0))
    pltpu.sync_copy(bins_v, counts_hbm.at[pl.ds(wid * NSP, NSP)])


def _sc_hist(sp):
    mesh = plsc.VectorSubcoreMesh(core_axis_name="c", subcore_axis_name="s",
                                  num_cores=2, num_subcores=16)
    f = pl.kernel(
        _sc_hist_body,
        out_type=jax.ShapeDtypeStruct((NW * NSP,), jnp.int32),
        mesh=mesh,
        compiler_params=pltpu.CompilerParams(needs_layout_passes=False),
        scratch_types=[
            pltpu.VMEM((PTS_PER_W,), jnp.int32),
            pltpu.VMEM((NSP,), jnp.int32),
        ],
    )
    return f(sp).reshape(NW, NSP)


def _sc_gather_body(words_hbm, sp_hbm, out_hbm, table_v, idx_v, gout_v):
    wid, base = _worker_base()
    pltpu.sync_copy(words_hbm, table_v)
    pltpu.sync_copy(sp_hbm.at[pl.ds(base, PTS_PER_W)], idx_v)

    def body(i, carry):
        spv = idx_v[pl.ds(i * 16, 16)]
        for j in range(NWORDS):
            gout_v[pl.ds(j * PTS_PER_W + i * 16, 16)] = plsc.load_gather(
                table_v, [spv + (j * NSP)])
        return carry

    jax.lax.fori_loop(0, PTS_PER_W // 16, body, jnp.int32(0))
    for j in range(NWORDS):
        pltpu.sync_copy(gout_v.at[pl.ds(j * PTS_PER_W, PTS_PER_W)],
                        out_hbm.at[pl.ds(j * NPTS_PAD + base, PTS_PER_W)])


def _sc_gather(words, sp):
    mesh = plsc.VectorSubcoreMesh(core_axis_name="c", subcore_axis_name="s",
                                  num_cores=2, num_subcores=16)
    f = pl.kernel(
        _sc_gather_body,
        out_type=jax.ShapeDtypeStruct((NWORDS * NPTS_PAD,), jnp.int32),
        mesh=mesh,
        compiler_params=pltpu.CompilerParams(needs_layout_passes=False),
        scratch_types=[
            pltpu.VMEM((NWORDS * NSP,), jnp.int32),
            pltpu.VMEM((PTS_PER_W,), jnp.int32),
            pltpu.VMEM((NWORDS * PTS_PER_W,), jnp.int32),
        ],
    )
    return f(words.reshape(NWORDS * NSP), sp).reshape(NWORDS, NPTS_PAD)


def _unpack_body(g_ref, out_ref):
    g = g_ref[...]
    sh = jax.lax.broadcasted_iota(jnp.int32, (32, 1), 0)
    for j in range(NWORDS):
        blk = (jnp.broadcast_to(g[j:j + 1], (32, g.shape[1])) >> sh) & 1
        lo = 32 * j
        nrows = min(32, TOPK - lo)
        out_ref[lo:lo + nrows, :] = (blk[:nrows] != 0)


def kernel(cls_preds, pred_masks, sp):
    counts = _sc_hist(sp)

    scores2, labels2, words = _PC(
        _dense_body,
        out_shape=(
            jax.ShapeDtypeStruct((TOPK, 1), jnp.float32),
            jax.ShapeDtypeStruct((TOPK, 1), jnp.int32),
            jax.ShapeDtypeStruct((NWORDS, NSP), jnp.int32),
        ),
    )(cls_preds, pred_masks, counts)

    g = _sc_gather(words, sp)

    C = 12800
    mask_bin = _PC(
        _unpack_body,
        grid=(NPTS_PAD // C,),
        in_specs=[pl.BlockSpec((NWORDS, C), lambda i: (0, i))],
        out_specs=pl.BlockSpec((TOPK, C), lambda i: (0, i)),
        out_shape=jax.ShapeDtypeStruct((TOPK, NPTS), jnp.bool_),
    )(g)

    return (scores2.reshape(TOPK), mask_bin, labels2.reshape(TOPK))

# --- scband reference (transcript-rebuilt; emitter-appended) ---
"""Pipeline reference for scband-sgiformer-53403623358537 (READ-ONLY COPY).

The authoritative reference and input builder live on the scoring server;
editing this copy changes nothing except your own understanding.
"""

import jax, jax.numpy as jnp
import numpy as np

NUM_CLASSES = 18
TOPK = 200
SP_SCORE_THR = 0.55
SCORE_THR = 0.0
NPOINT_THR = 100


def setup_inputs(seed: int = 0) -> dict:
    key = jax.random.key(seed)
    k1, k2, k3 = jax.random.split(key, 3)
    cls_preds = jax.random.normal(k1, (400, NUM_CLASSES + 1), dtype=jnp.float32)
    pred_masks = jax.random.normal(k2, (400, 4096), dtype=jnp.float32)
    sp = jax.random.randint(k3, (100000,), 0, 4096, dtype=jnp.int32)
    return {"cls_preds": cls_preds, "pred_masks": pred_masks, "sp": sp}


def _mask_matrix_nms_linear(masks, labels, scores):
    # Faithful port of mmdet mask_matrix_nms with kernel='linear' on 2D soft masks [N, L].
    n = masks.shape[0]
    sort_inds = jnp.argsort(-scores)
    masks = masks[sort_inds]
    labels = labels[sort_inds]
    scores = scores[sort_inds]
    mask_area = masks.sum(axis=1)
    inter = masks @ masks.T
    union = mask_area[:, None] + mask_area[None, :] - inter
    iou = jnp.triu(inter / (union + 1e-12), k=1)
    label_eq = jnp.triu((labels[:, None] == labels[None, :]).astype(masks.dtype), k=1)
    decay_iou = iou * label_eq
    compensate_iou = decay_iou.max(axis=0)  # per-column max, vector [n]
    # torch: compensate_iou.expand(n,n).transpose(1,0) -> M[i,j] = compensate_iou[i]
    decay_matrix = (1.0 - decay_iou) / (1.0 - compensate_iou[:, None])
    decay_coefficient = decay_matrix.min(axis=0)
    scores = scores * decay_coefficient
    return scores, labels, masks


def reference(cls_preds, pred_masks, sp):
    q = cls_preds.shape[0]
    scores_all = jax.nn.softmax(cls_preds, axis=-1)[:, :-1]  # drop no-object class
    flat_scores = scores_all.reshape(-1)
    scores, topk_idx = jax.lax.top_k(flat_scores, TOPK)
    labels_all = jnp.tile(jnp.arange(NUM_CLASSES, dtype=jnp.int32), q)
    labels = labels_all[topk_idx]
    query_idx = topk_idx // NUM_CLASSES
    mask_pred = pred_masks[query_idx]
    mask_sig = jax.nn.sigmoid(mask_pred)
    pos = (mask_pred > 0).astype(mask_sig.dtype)
    mask_scores = (mask_sig * pos).sum(axis=1) / (pos.sum(axis=1) + 1e-6)
    scores = scores * mask_scores
    scores, labels, mask_sig = _mask_matrix_nms_linear(mask_sig, labels, scores)
    # expand superpoint masks to points
    mask_full = mask_sig[:, sp]
    mask_bin = mask_full > SP_SCORE_THR
    npoint = mask_bin.sum(axis=1)
    keep = (scores > SCORE_THR) & (npoint > NPOINT_THR)
    # static-shape variant of boolean filtering: zero out dropped candidates
    scores = jnp.where(keep, scores, 0.0)
    mask_bin = mask_bin & keep[:, None]
    order = jnp.argsort(-scores)  # prediction(): sort descending
    return scores[order], mask_bin[order], labels[order]

if __name__ == "__main__":
    import jax
    _d = setup_inputs()
    print(jax.jit(kernel)(*tuple(_d.values())))

</pallas_src>

<mosaic_0001>
#map = affine_map<(d0, d1) -> (0)>
module attributes {stable_mosaic.version = 14 : i64} {
  func.func @_sc_hist_body(%arg0: i32, %arg1: i32, %arg2: memref<100000xi32, #tpu.memory_space<hbm>>, %arg3: memref<131072xi32, #tpu.memory_space<hbm>>, %arg4: memref<3200xi32, #tpu.memory_space<vmem>>, %arg5: memref<4096xi32, #tpu.memory_space<vmem>>) attributes {dimension_semantics = [#tpu.dimension_semantics<core_parallel>, #tpu.dimension_semantics<subcore_parallel>], iteration_bounds = array<i64: 2, 16>, scalar_prefetch = 0 : i64, scratch_operands = 2 : i64, tpu.core_type = #tpu.core_type<sc_vector_subcore>, window_params = [{transform_indices = #map}, {transform_indices = #map}]} {
    %mul3A = arith.constant 2 : i32
    %mul3A_0 = arith.muli %arg1, %mul3A : i32
    %add3A = arith.addi %mul3A_0, %arg0 : i32
    %mul3A_1 = arith.constant 3200 : i32
    %mul3A_2 = arith.muli %add3A, %mul3A_1 : i32
    %min3A = arith.constant 96800 : i32
    %min3A_3 = arith.minsi %mul3A_2, %min3A : i32
    "tpu.region"() ({
      %run_scoped3A = tpu.sem_alloc : memref<!tpu.dma_semaphore, #tpu.memory_space<semaphore_mem>>
      %dma_start3A = tpu.memref_slice %arg2[%min3A_3] : memref<100000xi32, #tpu.memory_space<hbm>> -> memref<3200xi32, #tpu.memory_space<hbm>>
      %dma_start3A_19 = tpu.memref_slice %arg2[%min3A_3] : memref<100000xi32, #tpu.memory_space<hbm>> -> memref<3200xi32, #tpu.memory_space<hbm>>
      tpu.enqueue_dma source(%dma_start3A_19 : memref<3200xi32, #tpu.memory_space<hbm>>) target(%arg4 : memref<3200xi32, #tpu.memory_space<vmem>>) target_semaphore(%run_scoped3A : memref<!tpu.dma_semaphore, #tpu.memory_space<semaphore_mem>>)
      %dma_wait3A = tpu.memref_slice %arg2[%min3A_3] : memref<100000xi32, #tpu.memory_space<hbm>> -> memref<3200xi32, #tpu.memory_space<hbm>>
      %dma_wait3A_20 = tpu.memref_slice %arg2[%min3A_3] : memref<100000xi32, #tpu.memory_space<hbm>> -> memref<3200xi32, #tpu.memory_space<hbm>>
      tpu.wait_dma2 semaphore(%run_scoped3A : memref<!tpu.dma_semaphore, #tpu.memory_space<semaphore_mem>>) src(%dma_wait3A_20 : memref<3200xi32, #tpu.memory_space<hbm>>) dst(%arg4 : memref<3200xi32, #tpu.memory_space<vmem>>)
      tpu.yield
    }) : () -> ()
    %scan3A = arith.constant 0 : i32
    %scan3A_4 = arith.constant 0 : i32
    %scan3A_5 = arith.constant 256 : i32
    %scan3A_6 = arith.addi %scan3A_4, %scan3A_5 : i32
    %scan3A_7 = arith.constant 1 : i32
    scf.for %scan3A_19 = %scan3A_4 to %scan3A_6 step %scan3A_7  : i32 {
      %broadcast_in_dim3A = arith.constant 0 : i32
      %broadcast_in_dim3A_20 = vector.broadcast %broadcast_in_dim3A : i32 to vector<16xi32>
      %mul3A_21 = arith.constant 16 : i32
      %mul3A_22 = arith.muli %scan3A_19, %mul3A_21 : i32
      %swap3A = arith.index_cast %mul3A_22 : i32 to index
      %swap3A_23 = tpu.vector_load %arg5[%swap3A] {strides = array<i32>} : memref<4096xi32, #tpu.memory_space<vmem>>, vector<16xi32>,
      tpu.vector_store %arg5[%swap3A], %broadcast_in_dim3A_20 {strides = array<i32>} : memref<4096xi32, #tpu.memory_space<vmem>>, vector<16xi32>,
    }
    %scan3A_8 = arith.constant 256 : i32
    %iota3A = tpu.iota {dimensions = array<i32: 0>} : vector<16xi32>
    %eq3A = arith.constant 31 : i32
    %eq3A_9 = arith.cmpi eq, %add3A, %eq3A : i32
    %jit3A = arith.constant 2400 : i32
    %jit3A_10 = arith.constant 0 : i32
    %select_n3A = arith.select %eq3A_9, %jit3A, %jit3A_10 : i32
    %scan3A_11 = arith.constant 0 : i32
    %scan3A_12 = arith.constant 0 : i32
    %scan3A_13 = arith.constant 200 : i32
    %scan3A_14 = arith.addi %scan3A_12, %scan3A_13 : i32
    %scan3A_15 = arith.constant 1 : i32
    scf.for %scan3A_19 = %scan3A_12 to %scan3A_14 step %scan3A_15  : i32 {
      %mul3A_20 = arith.constant 16 : i32
      %mul3A_21 = arith.muli %scan3A_19, %mul3A_20 : i32
      %get3A = arith.index_cast %mul3A_21 : i32 to index
      %get3A_22 = tpu.vector_load %arg4[%get3A] {strides = array<i32>} : memref<3200xi32, #tpu.memory_space<vmem>>, vector<16xi32>,
      %mul3A_23 = arith.constant 16 : i32
      %mul3A_24 = arith.muli %scan3A_19, %mul3A_23 : i32
      %add3A_25 = vector.broadcast %mul3A_24 : i32 to vector<16xi32>
      %add3A_26 = arith.addi %iota3A, %add3A_25 : vector<16xi32>
      %ge3A = vector.broadcast %select_n3A : i32 to vector<16xi32>
      %ge3A_27 = arith.cmpi sge, %add3A_26, %ge3A : vector<16xi32>
      %unique3A, %unique3A_28 = tpu.scan_count mask(%ge3A_27 : vector<16xi1>) value(%get3A_22 : vector<16xi32>) : vector<16xi1>, vector<16xi32>
      %and3A = arith.andi %unique3A, %ge3A_27 : vector<16xi1>
      tpu.vector_store_idx %arg5[%get3A_22], %unique3A_28 masked %and3A {add = true} : memref<4096xi32, #tpu.memory_space<vmem>>[vector<16xi32>], vector<16xi32>, vector<16xi1>
    }
    %scan3A_16 = arith.constant 200 : i32
    %mul3A_17 = arith.constant 4096 : i32
    %mul3A_18 = arith.muli %add3A, %mul3A_17 : i32
    "tpu.region"() ({
      %run_scoped3A = tpu.sem_alloc : memref<!tpu.dma_semaphore, #tpu.memory_space<semaphore_mem>>
      %dma_start3A = tpu.memref_slice %arg3[%mul3A_18] : memref<131072xi32, #tpu.memory_space<hbm>> -> memref<4096xi32, #tpu.memory_space<hbm>>
      %dma_start3A_19 = tpu.memref_slice %arg3[%mul3A_18] : memref<131072xi32, #tpu.memory_space<hbm>> -> memref<4096xi32, #tpu.memory_space<hbm>>
      tpu.enqueue_dma source(%arg5 : memref<4096xi32, #tpu.memory_space<vmem>>) target(%dma_start3A_19 : memref<4096xi32, #tpu.memory_space<hbm>>) target_semaphore(%run_scoped3A : memref<!tpu.dma_semaphore, #tpu.memory_space<semaphore_mem>>)
      %dma_wait3A = tpu.memref_slice %arg3[%mul3A_18] : memref<131072xi32, #tpu.memory_space<hbm>> -> memref<4096xi32, #tpu.memory_space<hbm>>
      %dma_wait3A_20 = tpu.memref_slice %arg3[%mul3A_18] : memref<131072xi32, #tpu.memory_space<hbm>> -> memref<4096xi32, #tpu.memory_space<hbm>>
      tpu.wait_dma2 semaphore(%run_scoped3A : memref<!tpu.dma_semaphore, #tpu.memory_space<semaphore_mem>>) src(%arg5 : memref<4096xi32, #tpu.memory_space<vmem>>) dst(%dma_wait3A_20 : memref<4096xi32, #tpu.memory_space<hbm>>)
      tpu.yield
    }) : () -> ()
    return
  }
}

#map = affine_map<(d0, d1) -> (0)>
module attributes {stable_mosaic.version = 14 : i64} {
  func.func @_sc_gather_body(%arg0: i32, %arg1: i32, %arg2: memref<28672xi32, #tpu.memory_space<hbm>>, %arg3: memref<100000xi32, #tpu.memory_space<hbm>>, %arg4: memref<716800xi32, #tpu.memory_space<hbm>>, %arg5: memref<28672xi32, #tpu.memory_space<vmem>>, %arg6: memref<3200xi32, #tpu.memory_space<vmem>>, %arg7: memref<22400xi32, #tpu.memory_space<vmem>>) attributes {dimension_semantics = [#tpu.dimension_semantics<core_parallel>, #tpu.dimension_semantics<subcore_parallel>], iteration_bounds = array<i64: 2, 16>, scalar_prefetch = 0 : i64, scratch_operands = 3 : i64, tpu.core_type = #tpu.core_type<sc_vector_subcore>, window_params = [{transform_indices = #map}, {transform_indices = #map}, {transform_indices = #map}]} {
    %mul3A = arith.constant 2 : i32
    %mul3A_0 = arith.muli %arg1, %mul3A : i32
    %add3A = arith.addi %mul3A_0, %arg0 : i32
    %mul3A_1 = arith.constant 3200 : i32
    %mul3A_2 = arith.muli %add3A, %mul3A_1 : i32
    %min3A = arith.constant 96800 : i32
    %min3A_3 = arith.minsi %mul3A_2, %min3A : i32
    "tpu.region"() ({
      %run_scoped3A = tpu.sem_alloc : memref<!tpu.dma_semaphore, #tpu.memory_space<semaphore_mem>>
      tpu.enqueue_dma source(%arg2 : memref<28672xi32, #tpu.memory_space<hbm>>) target(%arg5 : memref<28672xi32, #tpu.memory_space<vmem>>) target_semaphore(%run_scoped3A : memref<!tpu.dma_semaphore, #tpu.memory_space<semaphore_mem>>)
      tpu.wait_dma2 semaphore(%run_scoped3A : memref<!tpu.dma_semaphore, #tpu.memory_space<semaphore_mem>>) src(%arg2 : memref<28672xi32, #tpu.memory_space<hbm>>) dst(%arg5 : memref<28672xi32, #tpu.memory_space<vmem>>)
      tpu.yield
    }) : () -> ()
    "tpu.region"() ({
      %run_scoped3A = tpu.sem_alloc : memref<!tpu.dma_semaphore, #tpu.memory_space<semaphore_mem>>
      %dma_start3A = tpu.memref_slice %arg3[%min3A_3] : memref<100000xi32, #tpu.memory_space<hbm>> -> memref<3200xi32, #tpu.memory_space<hbm>>
      %dma_start3A_23 = tpu.memref_slice %arg3[%min3A_3] : memref<100000xi32, #tpu.memory_space<hbm>> -> memref<3200xi32, #tpu.memory_space<hbm>>
      tpu.enqueue_dma source(%dma_start3A_23 : memref<3200xi32, #tpu.memory_space<hbm>>) target(%arg6 : memref<3200xi32, #tpu.memory_space<vmem>>) target_semaphore(%run_scoped3A : memref<!tpu.dma_semaphore, #tpu.memory_space<semaphore_mem>>)
      %dma_wait3A = tpu.memref_slice %arg3[%min3A_3] : memref<100000xi32, #tpu.memory_space<hbm>> -> memref<3200xi32, #tpu.memory_space<hbm>>
      %dma_wait3A_24 = tpu.memref_slice %arg3[%min3A_3] : memref<100000xi32, #tpu.memory_space<hbm>> -> memref<3200xi32, #tpu.memory_space<hbm>>
      tpu.wait_dma2 semaphore(%run_scoped3A : memref<!tpu.dma_semaphore, #tpu.memory_space<semaphore_mem>>) src(%dma_wait3A_24 : memref<3200xi32, #tpu.memory_space<hbm>>) dst(%arg6 : memref<3200xi32, #tpu.memory_space<vmem>>)
      tpu.yield
    }) : () -> ()
    %scan3A = arith.constant 0 : i32
    %scan3A_4 = arith.constant 0 : i32
    %scan3A_5 = arith.constant 200 : i32
    %scan3A_6 = arith.addi %scan3A_4, %scan3A_5 : i32
    %scan3A_7 = arith.constant 1 : i32
    scf.for %scan3A_23 = %scan3A_4 to %scan3A_6 step %scan3A_7  : i32 {
      %mul3A_24 = arith.constant 16 : i32
      %mul3A_25 = arith.muli %scan3A_23, %mul3A_24 : i32
      %get3A = arith.index_cast %mul3A_25 : i32 to index
      %get3A_26 = tpu.vector_load %arg6[%get3A] {strides = array<i32>} : memref<3200xi32, #tpu.memory_space<vmem>>, vector<16xi32>,
      %add3A_27 = arith.constant 0 : i32
      %add3A_28 = vector.broadcast %add3A_27 : i32 to vector<16xi32>
      %add3A_29 = arith.addi %get3A_26, %add3A_28 : vector<16xi32>
      %gather3A = tpu.vector_load_idx %arg5[%add3A_29] : memref<28672xi32, #tpu.memory_space<vmem>>[vector<16xi32>], vector<16xi32>,
      %mul3A_30 = arith.constant 16 : i32
      %mul3A_31 = arith.muli %scan3A_23, %mul3A_30 : i32
      %add3A_32 = arith.constant 0 : i32
      %add3A_33 = arith.addi %add3A_32, %mul3A_31 : i32
      %swap3A = arith.index_cast %add3A_33 : i32 to index
      %swap3A_34 = tpu.vector_load %arg7[%swap3A] {strides = array<i32>} : memref<22400xi32, #tpu.memory_space<vmem>>, vector<16xi32>,
      tpu.vector_store %arg7[%swap3A], %gather3A {strides = array<i32>} : memref<22400xi32, #tpu.memory_space<vmem>>, vector<16xi32>,
      %add3A_35 = arith.constant 4096 : i32
      %add3A_36 = vector.broadcast %add3A_35 : i32 to vector<16xi32>
      %add3A_37 = arith.addi %get3A_26, %add3A_36 : vector<16xi32>
      %gather3A_38 = tpu.vector_load_idx %arg5[%add3A_37] : memref<28672xi32, #tpu.memory_space<vmem>>[vector<16xi32>], vector<16xi32>,
      %mul3A_39 = arith.constant 16 : i32
      %mul3A_40 = arith.muli %scan3A_23, %mul3A_39 : i32
      %add3A_41 = arith.constant 3200 : i32
      %add3A_42 = arith.addi %add3A_41, %mul3A_40 : i32
      %swap3A_43 = arith.index_cast %add3A_42 : i32 to index
      %swap3A_44 = tpu.vector_load %arg7[%swap3A_43] {strides = array<i32>} : memref<22400xi32, #tpu.memory_space<vmem>>, vector<16xi32>,
      tpu.vector_store %arg7[%swap3A_43], %gather3A_38 {strides = array<i32>} : memref<22400xi32, #tpu.memory_space<vmem>>, vector<16xi32>,
      %add3A_45 = arith.constant 8192 : i32
      %add3A_46 = vector.broadcast %add3A_45 : i32 to vector<16xi32>
      %add3A_47 = arith.addi %get3A_26, %add3A_46 : vector<16xi32>
      %gather3A_48 = tpu.vector_load_idx %arg5[%add3A_47] : memref<28672xi32, #tpu.memory_space<vmem>>[vector<16xi32>], vector<16xi32>,
      %mul3A_49 = arith.constant 16 : i32
      %mul3A_50 = arith.muli %scan3A_23, %mul3A_49 : i32
      %add3A_51 = arith.constant 6400 : i32
      %add3A_52 = arith.addi %add3A_51, %mul3A_50 : i32
      %swap3A_53 = arith.index_cast %add3A_52 : i32 to index
      %swap3A_54 = tpu.vector_load %arg7[%swap3A_53] {strides = array<i32>} : memref<22400xi32, #tpu.memory_space<vmem>>, vector<16xi32>,
      tpu.vector_store %arg7[%swap3A_53], %gather3A_48 {strides = array<i32>} : memref<22400xi32, #tpu.memory_space<vmem>>, vector<16xi32>,
      %add3A_55 = arith.constant 12288 : i32
      %add3A_56 = vector.broadcast %add3A_55 : i32 to vector<16xi32>
      %add3A_57 = arith.addi %get3A_26, %add3A_56 : vector<16xi32>
      %gather3A_58 = tpu.vector_load_idx %arg5[%add3A_57] : memref<28672xi32, #tpu.memory_space<vmem>>[vector<16xi32>], vector<16xi32>,
      %mul3A_59 = arith.constant 16 : i32
      %mul3A_60 = arith.muli %scan3A_23, %mul3A_59 : i32
      %add3A_61 = arith.constant 9600 : i32
      %add3A_62 = arith.addi %add3A_61, %mul3A_60 : i32
      %swap3A_63 = arith.index_cast %add3A_62 : i32 to index
      %swap3A_64 = tpu.vector_load %arg7[%swap3A_63] {strides = array<i32>} : memref<22400xi32, #tpu.memory_space<vmem>>, vector<16xi32>,
      tpu.vector_store %arg7[%swap3A_63], %gather3A_58 {strides = array<i32>} : memref<22400xi32, #tpu.memory_space<vmem>>, vector<16xi32>,
      %add3A_65 = arith.constant 16384 : i32
      %add3A_66 = vector.broadcast %add3A_65 : i32 to vector<16xi32>
      %add3A_67 = arith.addi %get3A_26, %add3A_66 : vector<16xi32>
      %gather3A_68 = tpu.vector_load_idx %arg5[%add3A_67] : memref<28672xi32, #tpu.memory_space<vmem>>[vector<16xi32>], vector<16xi32>,
      %mul3A_69 = arith.constant 16 : i32
      %mul3A_70 = arith.muli %scan3A_23, %mul3A_69 : i32
      %add3A_71 = arith.constant 12800 : i32
      %add3A_72 = arith.addi %add3A_71, %mul3A_70 : i32
      %swap3A_73 = arith.index_cast %add3A_72 : i32 to index
      %swap3A_74 = tpu.vector_load %arg7[%swap3A_73] {strides = array<i32>} : memref<22400xi32, #tpu.memory_space<vmem>>, vector<16xi32>,
      tpu.vector_store %arg7[%swap3A_73], %gather3A_68 {strides = array<i32>} : memref<22400xi32, #tpu.memory_space<vmem>>, vector<16xi32>,
      %add3A_75 = arith.constant 20480 : i32
      %add3A_76 = vector.broadcast %add3A_75 : i32 to vector<16xi32>
      %add3A_77 = arith.addi %get3A_26, %add3A_76 : vector<16xi32>
      %gather3A_78 = tpu.vector_load_idx %arg5[%add3A_77] : memref<28672xi32, #tpu.memory_space<vmem>>[vector<16xi32>], vector<16xi32>,
      %mul3A_79 = arith.constant 16 : i32
      %mul3A_80 = arith.muli %scan3A_23, %mul3A_79 : i32
      %add3A_81 = arith.constant 16000 : i32
      %add3A_82 = arith.addi %add3A_81, %mul3A_80 : i32
      %swap3A_83 = arith.index_cast %add3A_82 : i32 to index
      %swap3A_84 = tpu.vector_load %arg7[%swap3A_83] {strides = array<i32>} : memref<22400xi32, #tpu.memory_space<vmem>>, vector<16xi32>,
      tpu.vector_store %arg7[%swap3A_83], %gather3A_78 {strides = array<i32>} : memref<22400xi32, #tpu.memory_space<vmem>>, vector<16xi32>,
      %add3A_85 = arith.constant 24576 : i32
      %add3A_86 = vector.broadcast %add3A_85 : i32 to vector<16xi32>
      %add3A_87 = arith.addi %get3A_26, %add3A_86 : vector<16xi32>
      %gather3A_88 = tpu.vector_load_idx %arg5[%add3A_87] : memref<28672xi32, #tpu.memory_space<vmem>>[vector<16xi32>], vector<16xi32>,
      %mul3A_89 = arith.constant 16 : i32
      %mul3A_90 = arith.muli %scan3A_23, %mul3A_89 : i32
      %add3A_91 = arith.constant 19200 : i32
      %add3A_92 = arith.addi %add3A_91, %mul3A_90 : i32
      %swap3A_93 = arith.index_cast %add3A_92 : i32 to index
      %swap3A_94 = tpu.vector_load %arg7[%swap3A_93] {strides = array<i32>} : memref<22400xi32, #tpu.memory_space<vmem>>, vector<16xi32>,
      tpu.vector_store %arg7[%swap3A_93], %gather3A_88 {strides = array<i32>} : memref<22400xi32, #tpu.memory_space<vmem>>, vector<16xi32>,
    }
    %scan3A_8 = arith.constant 200 : i32
    %add3A_9 = arith.constant 0 : i32
    %add3A_10 = arith.addi %add3A_9, %min3A_3 : i32
    "tpu.region"() ({
      %run_scoped3A = tpu.sem_alloc : memref<!tpu.dma_semaphore, #tpu.memory_space<semaphore_mem>>
      %dma_start3A = arith.constant 0 : i32
      %dma_start3A_23 = tpu.memref_slice %arg7[%dma_start3A] : memref<22400xi32, #tpu.memory_space<vmem>> -> memref<3200xi32, #tpu.memory_space<vmem>>
      %dma_start3A_24 = tpu.memref_slice %arg4[%add3A_10] : memref<716800xi32, #tpu.memory_space<hbm>> -> memref<3200xi32, #tpu.memory_space<hbm>>
      %dma_start3A_25 = tpu.memref_slice %arg4[%add3A_10] : memref<716800xi32, #tpu.memory_space<hbm>> -> memref<3200xi32, #tpu.memory_space<hbm>>
      %dma_start3A_26 = arith.constant 0 : i32
      %dma_start3A_27 = tpu.memref_slice %arg7[%dma_start3A_26] : memref<22400xi32, #tpu.memory_space<vmem>> -> memref<3200xi32, #tpu.memory_space<vmem>>
      tpu.enqueue_dma source(%dma_start3A_27 : memref<3200xi32, #tpu.memory_space<vmem>>) target(%dma_start3A_25 : memref<3200xi32, #tpu.memory_space<hbm>>) target_semaphore(%run_scoped3A : memref<!tpu.dma_semaphore, #tpu.memory_space<semaphore_mem>>)
      %dma_wait3A = arith.constant 0 : i32
      %dma_wait3A_28 = tpu.memref_slice %arg7[%dma_wait3A] : memref<22400xi32, #tpu.memory_space<vmem>> -> memref<3200xi32, #tpu.memory_space<vmem>>
      %dma_wait3A_29 = tpu.memref_slice %arg4[%add3A_10] : memref<716800xi32, #tpu.memory_space<hbm>> -> memref<3200xi32, #tpu.memory_space<hbm>>
      %dma_wait3A_30 = tpu.memref_slice %arg4[%add3A_10] : memref<716800xi32, #tpu.memory_space<hbm>> -> memref<3200xi32, #tpu.memory_space<hbm>>
      %dma_wait3A_31 = arith.constant 0 : i32
      %dma_wait3A_32 = tpu.memref_slice %arg7[%dma_wait3A_31] : memref<22400xi32, #tpu.memory_space<vmem>> -> memref<3200xi32, #tpu.memory_space<vmem>>
      tpu.wait_dma2 semaphore(%run_scoped3A : memref<!tpu.dma_semaphore, #tpu.memory_space<semaphore_mem>>) src(%dma_wait3A_32 : memref<3200xi32, #tpu.memory_space<vmem>>) dst(%dma_wait3A_30 : memref<3200xi32, #tpu.memory_space<hbm>>)
      tpu.yield
    }) : () -> ()
    %add3A_11 = arith.constant 102400 : i32
    %add3A_12 = arith.addi %add3A_11, %min3A_3 : i32
    "tpu.region"() ({
      %run_scoped3A = tpu.sem_alloc : memref<!tpu.dma_semaphore, #tpu.memory_space<semaphore_mem>>
      %dma_start3A = arith.constant 3200 : i32
      %dma_start3A_23 = tpu.memref_slice %arg7[%dma_start3A] : memref<22400xi32, #tpu.memory_space<vmem>> -> memref<3200xi32, #tpu.memory_space<vmem>>
      %dma_start3A_24 = tpu.memref_slice %arg4[%add3A_12] : memref<716800xi32, #tpu.memory_space<hbm>> -> memref<3200xi32, #tpu.memory_space<hbm>>
      %dma_start3A_25 = tpu.memref_slice %arg4[%add3A_12] : memref<716800xi32, #tpu.memory_space<hbm>> -> memref<3200xi32, #tpu.memory_space<hbm>>
      %dma_start3A_26 = arith.constant 3200 : i32
      %dma_start3A_27 = tpu.memref_slice %arg7[%dma_start3A_26] : memref<22400xi32, #tpu.memory_space<vmem>> -> memref<3200xi32, #tpu.memory_space<vmem>>
      tpu.enqueue_dma source(%dma_start3A_27 : memref<3200xi32, #tpu.memory_space<vmem>>) target(%dma_start3A_25 : memref<3200xi32, #tpu.memory_space<hbm>>) target_semaphore(%run_scoped3A : memref<!tpu.dma_semaphore, #tpu.memory_space<semaphore_mem>>)
      %dma_wait3A = arith.constant 3200 : i32
      %dma_wait3A_28 = tpu.memref_slice %arg7[%dma_wait3A] : memref<22400xi32, #tpu.memory_space<vmem>> -> memref<3200xi32, #tpu.memory_space<vmem>>
      %dma_wait3A_29 = tpu.memref_slice %arg4[%add3A_12] : memref<716800xi32, #tpu.memory_space<hbm>> -> memref<3200xi32, #tpu.memory_space<hbm>>
      %dma_wait3A_30 = tpu.memref_slice %arg4[%add3A_12] : memref<716800xi32, #tpu.memory_space<hbm>> -> memref<3200xi32, #tpu.memory_space<hbm>>
      %dma_wait3A_31 = arith.constant 3200 : i32
      %dma_wait3A_32 = tpu.memref_slice %arg7[%dma_wait3A_31] : memref<22400xi32, #tpu.memory_space<vmem>> -> memref<3200xi32, #tpu.memory_space<vmem>>
      tpu.wait_dma2 semaphore(%run_scoped3A : memref<!tpu.dma_semaphore, #tpu.memory_space<semaphore_mem>>) src(%dma_wait3A_32 : memref<3200xi32, #tpu.memory_space<vmem>>) dst(%dma_wait3A_30 : memref<3200xi32, #tpu.memory_space<hbm>>)
      tpu.yield
    }) : () -> ()
    %add3A_13 = arith.constant 204800 : i32
    %add3A_14 = arith.addi %add3A_13, %min3A_3 : i32
    "tpu.region"() ({
      %run_scoped3A = tpu.sem_alloc : memref<!tpu.dma_semaphore, #tpu.memory_space<semaphore_mem>>
      %dma_start3A = arith.constant 6400 : i32
      %dma_start3A_23 = tpu.memref_slice %arg7[%dma_start3A] : memref<22400xi32, #tpu.memory_space<vmem>> -> memref<3200xi32, #tpu.memory_space<vmem>>
      %dma_start3A_24 = tpu.memref_slice %arg4[%add3A_14] : memref<716800xi32, #tpu.memory_space<hbm>> -> memref<3200xi32, #tpu.memory_space<hbm>>
      %dma_start3A_25 = tpu.memref_slice %arg4[%add3A_14] : memref<716800xi32, #tpu.memory_space<hbm>> -> memref<3200xi32, #tpu.memory_space<hbm>>
      %dma_start3A_26 = arith.constant 6400 : i32
      %dma_start3A_27 = tpu.memref_slice %arg7[%dma_start3A_26] : memref<22400xi32, #tpu.memory_space<vmem>> -> memref<3200xi32, #tpu.memory_space<vmem>>
      tpu.enqueue_dma source(%dma_start3A_27 : memref<3200xi32, #tpu.memory_space<vmem>>) target(%dma_start3A_25 : memref<3200xi32, #tpu.memory_space<hbm>>) target_semaphore(%run_scoped3A : memref<!tpu.dma_semaphore, #tpu.memory_space<semaphore_mem>>)
      %dma_wait3A = arith.constant 6400 : i32
      %dma_wait3A_28 = tpu.memref_slice %arg7[%dma_wait3A] : memref<22400xi32, #tpu.memory_space<vmem>> -> memref<3200xi32, #tpu.memory_space<vmem>>
      %dma_wait3A_29 = tpu.memref_slice %arg4[%add3A_14] : memref<716800xi32, #tpu.memory_space<hbm>> -> memref<3200xi32, #tpu.memory_space<hbm>>
      %dma_wait3A_30 = tpu.memref_slice %arg4[%add3A_14] : memref<716800xi32, #tpu.memory_space<hbm>> -> memref<3200xi32, #tpu.memory_space<hbm>>
      %dma_wait3A_31 = arith.constant 6400 : i32
      %dma_wait3A_32 = tpu.memref_slice %arg7[%dma_wait3A_31] : memref<22400xi32, #tpu.memory_space<vmem>> -> memref<3200xi32, #tpu.memory_space<vmem>>
      tpu.wait_dma2 semaphore(%run_scoped3A : memref<!tpu.dma_semaphore, #tpu.memory_space<semaphore_mem>>) src(%dma_wait3A_32 : memref<3200xi32, #tpu.memory_space<vmem>>) dst(%dma_wait3A_30 : memref<3200xi32, #tpu.memory_space<hbm>>)
      tpu.yield
    }) : () -> ()
    %add3A_15 = arith.constant 307200 : i32
    %add3A_16 = arith.addi %add3A_15, %min3A_3 : i32
    "tpu.region"() ({
      %run_scoped3A = tpu.sem_alloc : memref<!tpu.dma_semaphore, #tpu.memory_space<semaphore_mem>>
      %dma_start3A = arith.constant 9600 : i32
      %dma_start3A_23 = tpu.memref_slice %arg7[%dma_start3A] : memref<22400xi32, #tpu.memory_space<vmem>> -> memref<3200xi32, #tpu.memory_space<vmem>>
      %dma_start3A_24 = tpu.memref_slice %arg4[%add3A_16] : memref<716800xi32, #tpu.memory_space<hbm>> -> memref<3200xi32, #tpu.memory_space<hbm>>
      %dma_start3A_25 = tpu.memref_slice %arg4[%add3A_16] : memref<716800xi32, #tpu.memory_space<hbm>> -> memref<3200xi32, #tpu.memory_space<hbm>>
      %dma_start3A_26 = arith.constant 9600 : i32
      %dma_start3A_27 = tpu.memref_slice %arg7[%dma_start3A_26] : memref<22400xi32, #tpu.memory_space<vmem>> -> memref<3200xi32, #tpu.memory_space<vmem>>
      tpu.enqueue_dma source(%dma_start3A_27 : memref<3200xi32, #tpu.memory_space<vmem>>) target(%dma_start3A_25 : memref<3200xi32, #tpu.memory_space<hbm>>) target_semaphore(%run_scoped3A : memref<!tpu.dma_semaphore, #tpu.memory_space<semaphore_mem>>)
      %dma_wait3A = arith.constant 9600 : i32
      %dma_wait3A_28 = tpu.memref_slice %arg7[%dma_wait3A] : memref<22400xi32, #tpu.memory_space<vmem>> -> memref<3200xi32, #tpu.memory_space<vmem>>
      %dma_wait3A_29 = tpu.memref_slice %arg4[%add3A_16] : memref<716800xi32, #tpu.memory_space<hbm>> -> memref<3200xi32, #tpu.memory_space<hbm>>
      %dma_wait3A_30 = tpu.memref_slice %arg4[%add3A_16] : memref<716800xi32, #tpu.memory_space<hbm>> -> memref<3200xi32, #tpu.memory_space<hbm>>
      %dma_wait3A_31 = arith.constant 9600 : i32
      %dma_wait3A_32 = tpu.memref_slice %arg7[%dma_wait3A_31] : memref<22400xi32, #tpu.memory_space<vmem>> -> memref<3200xi32, #tpu.memory_space<vmem>>
      tpu.wait_dma2 semaphore(%run_scoped3A : memref<!tpu.dma_semaphore, #tpu.memory_space<semaphore_mem>>) src(%dma_wait3A_32 : memref<3200xi32, #tpu.memory_space<vmem>>) dst(%dma_wait3A_30 : memref<3200xi32, #tpu.memory_space<hbm>>)
      tpu.yield
    }) : () -> ()
    %add3A_17 = arith.constant 409600 : i32
    %add3A_18 = arith.addi %add3A_17, %min3A_3 : i32
    "tpu.region"() ({
      %run_scoped3A = tpu.sem_alloc : memref<!tpu.dma_semaphore, #tpu.memory_space<semaphore_mem>>
      %dma_start3A = arith.constant 12800 : i32
      %dma_start3A_23 = tpu.memref_slice %arg7[%dma_start3A] : memref<22400xi32, #tpu.memory_space<vmem>> -> memref<3200xi32, #tpu.memory_space<vmem>>
      %dma_start3A_24 = tpu.memref_slice %arg4[%add3A_18] : memref<716800xi32, #tpu.memory_space<hbm>> -> memref<3200xi32, #tpu.memory_space<hbm>>
      %dma_start3A_25 = tpu.memref_slice %arg4[%add3A_18] : memref<716800xi32, #tpu.memory_space<hbm>> -> memref<3200xi32, #tpu.memory_space<hbm>>
      %dma_start3A_26 = arith.constant 12800 : i32
      %dma_start3A_27 = tpu.memref_slice %arg7[%dma_start3A_26] : memref<22400xi32, #tpu.memory_space<vmem>> -> memref<3200xi32, #tpu.memory_space<vmem>>
      tpu.enqueue_dma source(%dma_start3A_27 : memref<3200xi32, #tpu.memory_space<vmem>>) target(%dma_start3A_25 : memref<3200xi32, #tpu.memory_space<hbm>>) target_semaphore(%run_scoped3A : memref<!tpu.dma_semaphore, #tpu.memory_space<semaphore_mem>>)
      %dma_wait3A = arith.constant 12800 : i32
      %dma_wait3A_28 = tpu.memref_slice %arg7[%dma_wait3A] : memref<22400xi32, #tpu.memory_space<vmem>> -> memref<3200xi32, #tpu.memory_space<vmem>>
      %dma_wait3A_29 = tpu.memref_slice %arg4[%add3A_18] : memref<716800xi32, #tpu.memory_space<hbm>> -> memref<3200xi32, #tpu.memory_space<hbm>>
      %dma_wait3A_30 = tpu.memref_slice %arg4[%add3A_18] : memref<716800xi32, #tpu.memory_space<hbm>> -> memref<3200xi32, #tpu.memory_space<hbm>>
      %dma_wait3A_31 = arith.constant 12800 : i32
      %dma_wait3A_32 = tpu.memref_slice %arg7[%dma_wait3A_31] : memref<22400xi32, #tpu.memory_space<vmem>> -> memref<3200xi32, #tpu.memory_space<vmem>>
      tpu.wait_dma2 semaphore(%run_scoped3A : memref<!tpu.dma_semaphore, #tpu.memory_space<semaphore_mem>>) src(%dma_wait3A_32 : memref<3200xi32, #tpu.memory_space<vmem>>) dst(%dma_wait3A_30 : memref<3200xi32, #tpu.memory_space<hbm>>)
      tpu.yield
    }) : () -> ()
    %add3A_19 = arith.constant 512000 : i32
    %add3A_20 = arith.addi %add3A_19, %min3A_3 : i32
    "tpu.region"() ({
      %run_scoped3A = tpu.sem_alloc : memref<!tpu.dma_semaphore, #tpu.memory_space<semaphore_mem>>
      %dma_start3A = arith.constant 16000 : i32
      %dma_start3A_23 = tpu.memref_slice %arg7[%dma_start3A] : memref<22400xi32, #tpu.memory_space<vmem>> -> memref<3200xi32, #tpu.memory_space<vmem>>
      %dma_start3A_24 = tpu.memref_slice %arg4[%add3A_20] : memref<716800xi32, #tpu.memory_space<hbm>> -> memref<3200xi32, #tpu.memory_space<hbm>>
      %dma_start3A_25 = tpu.memref_slice %arg4[%add3A_20] : memref<716800xi32, #tpu.memory_space<hbm>> -> memref<3200xi32, #tpu.memory_space<hbm>>
      %dma_start3A_26 = arith.constant 16000 : i32
      %dma_start3A_27 = tpu.memref_slice %arg7[%dma_start3A_26] : memref<22400xi32, #tpu.memory_space<vmem>> -> memref<3200xi32, #tpu.memory_space<vmem>>
      tpu.enqueue_dma source(%dma_start3A_27 : memref<3200xi32, #tpu.memory_space<vmem>>) target(%dma_start3A_25 : memref<3200xi32, #tpu.memory_space<hbm>>) target_semaphore(%run_scoped3A : memref<!tpu.dma_semaphore, #tpu.memory_space<semaphore_mem>>)
      %dma_wait3A = arith.constant 16000 : i32
      %dma_wait3A_28 = tpu.memref_slice %arg7[%dma_wait3A] : memref<22400xi32, #tpu.memory_space<vmem>> -> memref<3200xi32, #tpu.memory_space<vmem>>
      %dma_wait3A_29 = tpu.memref_slice %arg4[%add3A_20] : memref<716800xi32, #tpu.memory_space<hbm>> -> memref<3200xi32, #tpu.memory_space<hbm>>
      %dma_wait3A_30 = tpu.memref_slice %arg4[%add3A_20] : memref<716800xi32, #tpu.memory_space<hbm>> -> memref<3200xi32, #tpu.memory_space<hbm>>
      %dma_wait3A_31 = arith.constant 16000 : i32
      %dma_wait3A_32 = tpu.memref_slice %arg7[%dma_wait3A_31] : memref<22400xi32, #tpu.memory_space<vmem>> -> memref<3200xi32, #tpu.memory_space<vmem>>
      tpu.wait_dma2 semaphore(%run_scoped3A : memref<!tpu.dma_semaphore, #tpu.memory_space<semaphore_mem>>) src(%dma_wait3A_32 : memref<3200xi32, #tpu.memory_space<vmem>>) dst(%dma_wait3A_30 : memref<3200xi32, #tpu.memory_space<hbm>>)
      tpu.yield
    }) : () -> ()
    %add3A_21 = arith.constant 614400 : i32
    %add3A_22 = arith.addi %add3A_21, %min3A_3 : i32
    "tpu.region"() ({
      %run_scoped3A = tpu.sem_alloc : memref<!tpu.dma_semaphore, #tpu.memory_space<semaphore_mem>>
      %dma_start3A = arith.constant 19200 : i32
      %dma_start3A_23 = tpu.memref_slice %arg7[%dma_start3A] : memref<22400xi32, #tpu.memory_space<vmem>> -> memref<3200xi32, #tpu.memory_space<vmem>>
      %dma_start3A_24 = tpu.memref_slice %arg4[%add3A_22] : memref<716800xi32, #tpu.memory_space<hbm>> -> memref<3200xi32, #tpu.memory_space<hbm>>
      %dma_start3A_25 = tpu.memref_slice %arg4[%add3A_22] : memref<716800xi32, #tpu.memory_space<hbm>> -> memref<3200xi32, #tpu.memory_space<hbm>>
      %dma_start3A_26 = arith.constant 19200 : i32
      %dma_start3A_27 = tpu.memref_slice %arg7[%dma_start3A_26] : memref<22400xi32, #tpu.memory_space<vmem>> -> memref<3200xi32, #tpu.memory_space<vmem>>
      tpu.enqueue_dma source(%dma_start3A_27 : memref<3200xi32, #tpu.memory_space<vmem>>) target(%dma_start3A_25 : memref<3200xi32, #tpu.memory_space<hbm>>) target_semaphore(%run_scoped3A : memref<!tpu.dma_semaphore, #tpu.memory_space<semaphore_mem>>)
      %dma_wait3A = arith.constant 19200 : i32
      %dma_wait3A_28 = tpu.memref_slice %arg7[%dma_wait3A] : memref<22400xi32, #tpu.memory_space<vmem>> -> memref<3200xi32, #tpu.memory_space<vmem>>
      %dma_wait3A_29 = tpu.memref_slice %arg4[%add3A_22] : memref<716800xi32, #tpu.memory_space<hbm>> -> memref<3200xi32, #tpu.memory_space<hbm>>
      %dma_wait3A_30 = tpu.memref_slice %arg4[%add3A_22] : memref<716800xi32, #tpu.memory_space<hbm>> -> memref<3200xi32, #tpu.memory_space<hbm>>
      %dma_wait3A_31 = arith.constant 19200 : i32
      %dma_wait3A_32 = tpu.memref_slice %arg7[%dma_wait3A_31] : memref<22400xi32, #tpu.memory_space<vmem>> -> memref<3200xi32, #tpu.memory_space<vmem>>
      tpu.wait_dma2 semaphore(%run_scoped3A : memref<!tpu.dma_semaphore, #tpu.memory_space<semaphore_mem>>) src(%dma_wait3A_32 : memref<3200xi32, #tpu.memory_space<vmem>>) dst(%dma_wait3A_30 : memref<3200xi32, #tpu.memory_space<hbm>>)
      tpu.yield
    }) : () -> ()
    return
  }
}

module attributes {stable_mosaic.version = 14 : i64} {
  func.func @_dense_body(%arg0: memref<400x19xf32, #tpu.memory_space<vmem>>, %arg1: memref<400x4096xf32, #tpu.memory_space<vmem>>, %arg2: memref<32x4096xi32, #tpu.memory_space<vmem>>, %arg3: memref<200x1xf32, #tpu.memory_space<vmem>>, %arg4: memref<200x1xi32, #tpu.memory_space<vmem>>, %arg5: memref<7x4096xi32, #tpu.memory_space<vmem>>) attributes {dimension_semantics = [], scalar_prefetch = 0 : i64, scratch_operands = 0 : i64, tpu.core_type = #tpu.core_type<tc>} {
    %get3A = arith.constant 0 : index
    %get3A_0 = arith.constant 0 : index
    %get3A_1 = vector.load %arg0[%get3A, %get3A_0] : memref<400x19xf32, #tpu.memory_space<vmem>>, vector<400x19xf32>
    %get3A_2 = arith.constant 0 : index
    %get3A_3 = arith.constant 0 : index
    %get3A_4 = vector.load %arg1[%get3A_2, %get3A_3] : memref<400x4096xf32, #tpu.memory_space<vmem>>, vector<400x4096xf32>
    %reduce_max3A = arith.constant dense<0xFF800000> : vector<400xf32>
    %reduce_max3A_5 = vector.multi_reduction <maximumf>, %get3A_1, %reduce_max3A [1] : vector<400x19xf32> to vector<400xf32>
    %broadcast_in_dim3A = vector.shape_cast %reduce_max3A_5 : vector<400xf32> to vector<400x1xf32>
    %sub3A = vector.broadcast %broadcast_in_dim3A : vector<400x1xf32> to vector<400x19xf32>
    %sub3A_6 = arith.subf %get3A_1, %sub3A : vector<400x19xf32>
    %exp3A = math.exp %sub3A_6 : vector<400x19xf32>
    %reduce_sum3A = arith.constant dense<0.000000e+00> : vector<400xf32>
    %reduce_sum3A_7 = vector.multi_reduction <add>, %exp3A, %reduce_sum3A [1] : vector<400x19xf32> to vector<400xf32>
    %broadcast_in_dim3A_8 = vector.shape_cast %reduce_sum3A_7 : vector<400xf32> to vector<400x1xf32>
    %div3A = vector.broadcast %broadcast_in_dim3A_8 : vector<400x1xf32> to vector<400x19xf32>
    %div3A_9 = arith.divf %exp3A, %div3A : vector<400x19xf32>
    %slice3A = vector.extract_strided_slice %div3A_9 {offsets = [0, 0], sizes = [400, 18], strides = [1, 1]} : vector<400x19xf32> to vector<400x18xf32>
    %bitcast_convert_type3A = tpu.bitcast %slice3A : vector<400x18xf32> -> vector<400x18xi32>
    %iota3A = tpu.iota {dimensions = array<i32: 0>} : vector<400x18xi32>
    %mul3A = arith.constant 18 : i32
    %mul3A_10 = vector.broadcast %mul3A : i32 to vector<400x18xi32>
    %mul3A_11 = arith.muli %iota3A, %mul3A_10 : vector<400x18xi32>
    %iota3A_12 = tpu.iota {dimensions = array<i32: 1>} : vector<400x18xi32>
    %add3A = arith.addi %mul3A_11, %iota3A_12 : vector<400x18xi32>
    %scan3A = arith.constant 0 : i32
    %scan3A_13 = arith.constant 0 : i32
    %scan3A_14 = arith.constant 31 : i32
    %scan3A_15 = arith.addi %scan3A_13, %scan3A_14 : i32
    %scan3A_16 = arith.constant 1 : i32
    %scan3A_17 = scf.for %scan3A_678 = %scan3A_13 to %scan3A_15 step %scan3A_16 iter_args(%scan3A_679 = %scan3A) -> (i32)  : i32 {
      %sub3A_680 = arith.constant 30 : i32
      %sub3A_681 = arith.subi %sub3A_680, %scan3A_678 : i32
      %shift_left3A_682 = arith.constant 1 : i32
      %shift_left3A_683 = arith.shli %shift_left3A_682, %sub3A_681 : i32
      %or3A_684 = arith.ori %scan3A_679, %shift_left3A_683 : i32
      %gt3A_685 = vector.broadcast %or3A_684 : i32 to vector<400x18xi32>
      %gt3A_686 = arith.cmpi sgt, %bitcast_convert_type3A, %gt3A_685 : vector<400x18xi32>
      %convert_element_type3A_687 = arith.extui %gt3A_686 : vector<400x18xi1> to vector<400x18xi32>
      %reduce_sum3A_688 = vector.shape_cast %convert_element_type3A_687 : vector<400x18xi32> to vector<1x400x18xi32>
      %reduce_sum3A_689 = arith.constant dense<0> : vector<1xi32>
      %reduce_sum3A_690 = vector.multi_reduction <add>, %reduce_sum3A_688, %reduce_sum3A_689 [1, 2] : vector<1x400x18xi32> to vector<1xi32>
      %reduce_sum3A_691 = vector.shape_cast %reduce_sum3A_690 : vector<1xi32> to vector<1x1x1xi32>
      %reduce_sum3A_692 = vector.extract %reduce_sum3A_691[0, 0, 0] : i32 from vector<1x1x1xi32>
      %ge3A_693 = arith.constant 200 : i32
      %ge3A_694 = arith.cmpi sge, %reduce_sum3A_692, %ge3A_693 : i32
      %select_n3A_695 = arith.select %ge3A_694, %or3A_684, %scan3A_679 : i32
      scf.yield %select_n3A_695 : i32
    }
    %scan3A_18 = arith.constant 31 : i32
    %gt3A = vector.broadcast %scan3A_17 : i32 to vector<400x18xi32>
    %gt3A_19 = arith.cmpi sgt, %bitcast_convert_type3A, %gt3A : vector<400x18xi32>
    %eq3A = vector.broadcast %scan3A_17 : i32 to vector<400x18xi32>
    %eq3A_20 = arith.cmpi eq, %bitcast_convert_type3A, %eq3A : vector<400x18xi32>
    %convert_element_type3A = arith.extui %gt3A_19 : vector<400x18xi1> to vector<400x18xi32>
    %reduce_sum3A_21 = vector.shape_cast %convert_element_type3A : vector<400x18xi32> to vector<1x400x18xi32>
    %reduce_sum3A_22 = arith.constant dense<0> : vector<1xi32>
    %reduce_sum3A_23 = vector.multi_reduction <add>, %reduce_sum3A_21, %reduce_sum3A_22 [1, 2] : vector<1x400x18xi32> to vector<1xi32>
    %reduce_sum3A_24 = vector.shape_cast %reduce_sum3A_23 : vector<1xi32> to vector<1x1x1xi32>
    %reduce_sum3A_25 = vector.extract %reduce_sum3A_24[0, 0, 0] : i32 from vector<1x1x1xi32>
    %scan3A_26 = arith.constant 0 : i32
    %scan3A_27 = arith.constant 0 : i32
    %scan3A_28 = arith.constant 13 : i32
    %scan3A_29 = arith.addi %scan3A_27, %scan3A_28 : i32
    %scan3A_30 = arith.constant 1 : i32
    %scan3A_31 = scf.for %scan3A_678 = %scan3A_27 to %scan3A_29 step %scan3A_30 iter_args(%scan3A_679 = %scan3A_26) -> (i32)  : i32 {
      %sub3A_680 = arith.constant 12 : i32
      %sub3A_681 = arith.subi %sub3A_680, %scan3A_678 : i32
      %shift_left3A_682 = arith.constant 1 : i32
      %shift_left3A_683 = arith.shli %shift_left3A_682, %sub3A_681 : i32
      %or3A_684 = arith.ori %scan3A_679, %shift_left3A_683 : i32
      %lt3A_685 = vector.broadcast %or3A_684 : i32 to vector<400x18xi32>
      %lt3A_686 = arith.cmpi slt, %add3A, %lt3A_685 : vector<400x18xi32>
      %and3A_687 = arith.andi %eq3A_20, %lt3A_686 : vector<400x18xi1>
      %convert_element_type3A_688 = arith.extui %and3A_687 : vector<400x18xi1> to vector<400x18xi32>
      %reduce_sum3A_689 = vector.shape_cast %convert_element_type3A_688 : vector<400x18xi32> to vector<1x400x18xi32>
      %reduce_sum3A_690 = arith.constant dense<0> : vector<1xi32>
      %reduce_sum3A_691 = vector.multi_reduction <add>, %reduce_sum3A_689, %reduce_sum3A_690 [1, 2] : vector<1x400x18xi32> to vector<1xi32>
      %reduce_sum3A_692 = vector.shape_cast %reduce_sum3A_691 : vector<1xi32> to vector<1x1x1xi32>
      %reduce_sum3A_693 = vector.extract %reduce_sum3A_692[0, 0, 0] : i32 from vector<1x1x1xi32>
      %add3A_694 = arith.addi %reduce_sum3A_25, %reduce_sum3A_693 : i32
      %le3A = arith.constant 199 : i32
      %le3A_695 = arith.cmpi sle, %add3A_694, %le3A : i32
      %select_n3A_696 = arith.select %le3A_695, %or3A_684, %scan3A_679 : i32
      scf.yield %select_n3A_696 : i32
    }
    %scan3A_32 = arith.constant 13 : i32
    %add3A_33 = arith.constant 1 : i32
    %add3A_34 = arith.addi %scan3A_31, %add3A_33 : i32
    %lt3A = vector.broadcast %add3A_34 : i32 to vector<400x18xi32>
    %lt3A_35 = arith.cmpi slt, %add3A, %lt3A : vector<400x18xi32>
    %and3A = arith.andi %eq3A_20, %lt3A_35 : vector<400x18xi1>
    %or3A = arith.ori %gt3A_19, %and3A : vector<400x18xi1>
    %convert_element_type3A_36 = arith.extui %or3A : vector<400x18xi1> to vector<400x18xi32>
    %convert_element_type3A_37 = arith.sitofp %convert_element_type3A_36 : vector<400x18xi32> to vector<400x18xf32>
    %reduce_sum3A_38 = arith.constant dense<0.000000e+00> : vector<400xf32>
    %reduce_sum3A_39 = vector.multi_reduction <add>, %convert_element_type3A_37, %reduce_sum3A_38 [1] : vector<400x18xf32> to vector<400xf32>
    %broadcast_in_dim3A_40 = vector.shape_cast %reduce_sum3A_39 : vector<400xf32> to vector<400x1xf32>
    %iota3A_41 = tpu.iota {dimensions = array<i32: 0>} : vector<400x400xi32>
    %iota3A_42 = tpu.iota {dimensions = array<i32: 1>} : vector<400x400xi32>
    %lt3A_43 = arith.cmpi slt, %iota3A_42, %iota3A_41 : vector<400x400xi32>
    %convert_element_type3A_44 = arith.extui %lt3A_43 : vector<400x400xi1> to vector<400x400xi32>
    %convert_element_type3A_45 = arith.sitofp %convert_element_type3A_44 : vector<400x400xi32> to vector<400x400xf32>
    %dot_general3A = arith.constant dense<0.000000e+00> : vector<400x1xf32>
    %dot_general3A_46 = tpu.matmul %convert_element_type3A_45, %broadcast_in_dim3A_40, %dot_general3A {dimension_numbers = #tpu.dot_dimension_numbers<[1], [0], [0], [1], [0, 0, 1, 1], [], []>, precision = #tpu.contract_precision<fp32>, transpose_lhs_hint = false} : vector<400x400xf32>, vector<400x1xf32>, vector<400x1xf32> -> vector<400x1xf32>
    %iota3A_47 = tpu.iota {dimensions = array<i32: 0>} : vector<18x18xi32>
    %iota3A_48 = tpu.iota {dimensions = array<i32: 1>} : vector<18x18xi32>
    %lt3A_49 = arith.cmpi slt, %iota3A_47, %iota3A_48 : vector<18x18xi32>
    %convert_element_type3A_50 = arith.extui %lt3A_49 : vector<18x18xi1> to vector<18x18xi32>
    %convert_element_type3A_51 = arith.sitofp %convert_element_type3A_50 : vector<18x18xi32> to vector<18x18xf32>
    %dot_general3A_52 = arith.constant dense<0.000000e+00> : vector<400x18xf32>
    %dot_general3A_53 = tpu.matmul %convert_element_type3A_37, %convert_element_type3A_51, %dot_general3A_52 {dimension_numbers = #tpu.dot_dimension_numbers<[1], [0], [0], [1], [0, 0, 1, 1], [], []>, precision = #tpu.contract_precision<fp32>, transpose_lhs_hint = false} : vector<400x18xf32>, vector<18x18xf32>, vector<400x18xf32> -> vector<400x18xf32>
    %add3A_54 = vector.broadcast %dot_general3A_46 : vector<400x1xf32> to vector<400x18xf32>
    %add3A_55 = arith.addf %add3A_54, %dot_general3A_53 : vector<400x18xf32>
    %iota3A_56 = tpu.iota {dimensions = array<i32: 1>} : vector<1x200xi32>
    %convert_element_type3A_57 = arith.sitofp %iota3A_56 : vector<1x200xi32> to vector<1x200xf32>
    %broadcast_in_dim3A_58 = arith.constant 0.000000e+00 : f32
    %broadcast_in_dim3A_59 = vector.broadcast %broadcast_in_dim3A_58 : f32 to vector<400x200xf32>
    %broadcast_in_dim3A_60 = arith.constant 0.000000e+00 : f32
    %broadcast_in_dim3A_61 = vector.broadcast %broadcast_in_dim3A_60 : f32 to vector<400x200xf32>
    %broadcast_in_dim3A_62 = arith.constant 0.000000e+00 : f32
    %broadcast_in_dim3A_63 = vector.broadcast %broadcast_in_dim3A_62 : f32 to vector<400x200xf32>
    %slice3A_64 = vector.extract_strided_slice %add3A_55 {offsets = [0, 0], sizes = [400, 1], strides = [1, 1]} : vector<400x18xf32> to vector<400x1xf32>
    %eq3A_65 = vector.broadcast %slice3A_64 : vector<400x1xf32> to vector<400x200xf32>
    %eq3A_66 = vector.broadcast %convert_element_type3A_57 : vector<1x200xf32> to vector<400x200xf32>
    %eq3A_67 = arith.cmpf oeq, %eq3A_65, %eq3A_66 : vector<400x200xf32>
    %slice3A_68 = vector.extract_strided_slice %or3A {offsets = [0, 0], sizes = [400, 1], strides = [1, 1]} : vector<400x18xi1> to vector<400x1xi1>
    %and3A_69 = vector.broadcast %slice3A_68 : vector<400x1xi1> to vector<400x200xi1>
    %and3A_70 = arith.andi %eq3A_67, %and3A_69 : vector<400x200xi1>
    %jit3A = arith.constant 1.000000e+00 : f32
    %jit3A_71 = arith.constant 0.000000e+00 : f32
    %broadcast_in_dim3A_72 = vector.broadcast %jit3A : f32 to vector<400x200xf32>
    %broadcast_in_dim3A_73 = vector.broadcast %jit3A_71 : f32 to vector<400x200xf32>
    %select_n3A = arith.select %and3A_70, %broadcast_in_dim3A_72, %broadcast_in_dim3A_73 : vector<400x200xi1>, vector<400x200xf32>
    %add3A_74 = arith.addf %broadcast_in_dim3A_59, %select_n3A : vector<400x200xf32>
    %mul3A_75 = arith.constant 0.000000e+00 : f32
    %mul3A_76 = vector.broadcast %mul3A_75 : f32 to vector<400x200xf32>
    %mul3A_77 = arith.mulf %select_n3A, %mul3A_76 : vector<400x200xf32>
    %add3A_78 = arith.addf %broadcast_in_dim3A_61, %mul3A_77 : vector<400x200xf32>
    %slice3A_79 = vector.extract_strided_slice %slice3A {offsets = [0, 0], sizes = [400, 1], strides = [1, 1]} : vector<400x18xf32> to vector<400x1xf32>
    %mul3A_80 = vector.broadcast %slice3A_79 : vector<400x1xf32> to vector<400x200xf32>
    %mul3A_81 = arith.mulf %select_n3A, %mul3A_80 : vector<400x200xf32>
    %add3A_82 = arith.addf %broadcast_in_dim3A_63, %mul3A_81 : vector<400x200xf32>
    %slice3A_83 = vector.extract_strided_slice %add3A_55 {offsets = [0, 1], sizes = [400, 1], strides = [1, 1]} : vector<400x18xf32> to vector<400x1xf32>
    %eq3A_84 = vector.broadcast %slice3A_83 : vector<400x1xf32> to vector<400x200xf32>
    %eq3A_85 = vector.broadcast %convert_element_type3A_57 : vector<1x200xf32> to vector<400x200xf32>
    %eq3A_86 = arith.cmpf oeq, %eq3A_84, %eq3A_85 : vector<400x200xf32>
    %slice3A_87 = vector.extract_strided_slice %or3A {offsets = [0, 1], sizes = [400, 1], strides = [1, 1]} : vector<400x18xi1> to vector<400x1xi1>
    %and3A_88 = vector.broadcast %slice3A_87 : vector<400x1xi1> to vector<400x200xi1>
    %and3A_89 = arith.andi %eq3A_86, %and3A_88 : vector<400x200xi1>
    %jit3A_90 = arith.constant 1.000000e+00 : f32
    %jit3A_91 = arith.constant 0.000000e+00 : f32
    %broadcast_in_dim3A_92 = vector.broadcast %jit3A_90 : f32 to vector<400x200xf32>
    %broadcast_in_dim3A_93 = vector.broadcast %jit3A_91 : f32 to vector<400x200xf32>
    %select_n3A_94 = arith.select %and3A_89, %broadcast_in_dim3A_92, %broadcast_in_dim3A_93 : vector<400x200xi1>, vector<400x200xf32>
    %add3A_95 = arith.addf %add3A_74, %select_n3A_94 : vector<400x200xf32>
    %mul3A_96 = arith.constant 1.000000e+00 : f32
    %mul3A_97 = vector.broadcast %mul3A_96 : f32 to vector<400x200xf32>
    %mul3A_98 = arith.mulf %select_n3A_94, %mul3A_97 : vector<400x200xf32>
    %add3A_99 = arith.addf %add3A_78, %mul3A_98 : vector<400x200xf32>
    %slice3A_100 = vector.extract_strided_slice %slice3A {offsets = [0, 1], sizes = [400, 1], strides = [1, 1]} : vector<400x18xf32> to vector<400x1xf32>
    %mul3A_101 = vector.broadcast %slice3A_100 : vector<400x1xf32> to vector<400x200xf32>
    %mul3A_102 = arith.mulf %select_n3A_94, %mul3A_101 : vector<400x200xf32>
    %add3A_103 = arith.addf %add3A_82, %mul3A_102 : vector<400x200xf32>
    %slice3A_104 = vector.extract_strided_slice %add3A_55 {offsets = [0, 2], sizes = [400, 1], strides = [1, 1]} : vector<400x18xf32> to vector<400x1xf32>
    %eq3A_105 = vector.broadcast %slice3A_104 : vector<400x1xf32> to vector<400x200xf32>
    %eq3A_106 = vector.broadcast %convert_element_type3A_57 : vector<1x200xf32> to vector<400x200xf32>
    %eq3A_107 = arith.cmpf oeq, %eq3A_105, %eq3A_106 : vector<400x200xf32>
    %slice3A_108 = vector.extract_strided_slice %or3A {offsets = [0, 2], sizes = [400, 1], strides = [1, 1]} : vector<400x18xi1> to vector<400x1xi1>
    %and3A_109 = vector.broadcast %slice3A_108 : vector<400x1xi1> to vector<400x200xi1>
    %and3A_110 = arith.andi %eq3A_107, %and3A_109 : vector<400x200xi1>
    %jit3A_111 = arith.constant 1.000000e+00 : f32
    %jit3A_112 = arith.constant 0.000000e+00 : f32
    %broadcast_in_dim3A_113 = vector.broadcast %jit3A_111 : f32 to vector<400x200xf32>
    %broadcast_in_dim3A_114 = vector.broadcast %jit3A_112 : f32 to vector<400x200xf32>
    %select_n3A_115 = arith.select %and3A_110, %broadcast_in_dim3A_113, %broadcast_in_dim3A_114 : vector<400x200xi1>, vector<400x200xf32>
    %add3A_116 = arith.addf %add3A_95, %select_n3A_115 : vector<400x200xf32>
    %mul3A_117 = arith.constant 2.000000e+00 : f32
    %mul3A_118 = vector.broadcast %mul3A_117 : f32 to vector<400x200xf32>
    %mul3A_119 = arith.mulf %select_n3A_115, %mul3A_118 : vector<400x200xf32>
    %add3A_120 = arith.addf %add3A_99, %mul3A_119 : vector<400x200xf32>
    %slice3A_121 = vector.extract_strided_slice %slice3A {offsets = [0, 2], sizes = [400, 1], strides = [1, 1]} : vector<400x18xf32> to vector<400x1xf32>
    %mul3A_122 = vector.broadcast %slice3A_121 : vector<400x1xf32> to vector<400x200xf32>
    %mul3A_123 = arith.mulf %select_n3A_115, %mul3A_122 : vector<400x200xf32>
    %add3A_124 = arith.addf %add3A_103, %mul3A_123 : vector<400x200xf32>
    %slice3A_125 = vector.extract_strided_slice %add3A_55 {offsets = [0, 3], sizes = [400, 1], strides = [1, 1]} : vector<400x18xf32> to vector<400x1xf32>
    %eq3A_126 = vector.broadcast %slice3A_125 : vector<400x1xf32> to vector<400x200xf32>
    %eq3A_127 = vector.broadcast %convert_element_type3A_57 : vector<1x200xf32> to vector<400x200xf32>
    %eq3A_128 = arith.cmpf oeq, %eq3A_126, %eq3A_127 : vector<400x200xf32>
    %slice3A_129 = vector.extract_strided_slice %or3A {offsets = [0, 3], sizes = [400, 1], strides = [1, 1]} : vector<400x18xi1> to vector<400x1xi1>
    %and3A_130 = vector.broadcast %slice3A_129 : vector<400x1xi1> to vector<400x200xi1>
    %and3A_131 = arith.andi %eq3A_128, %and3A_130 : vector<400x200xi1>
    %jit3A_132 = arith.constant 1.000000e+00 : f32
    %jit3A_133 = arith.constant 0.000000e+00 : f32
    %broadcast_in_dim3A_134 = vector.broadcast %jit3A_132 : f32 to vector<400x200xf32>
    %broadcast_in_dim3A_135 = vector.broadcast %jit3A_133 : f32 to vector<400x200xf32>
    %select_n3A_136 = arith.select %and3A_131, %broadcast_in_dim3A_134, %broadcast_in_dim3A_135 : vector<400x200xi1>, vector<400x200xf32>
    %add3A_137 = arith.addf %add3A_116, %select_n3A_136 : vector<400x200xf32>
    %mul3A_138 = arith.constant 3.000000e+00 : f32
    %mul3A_139 = vector.broadcast %mul3A_138 : f32 to vector<400x200xf32>
    %mul3A_140 = arith.mulf %select_n3A_136, %mul3A_139 : vector<400x200xf32>
    %add3A_141 = arith.addf %add3A_120, %mul3A_140 : vector<400x200xf32>
    %slice3A_142 = vector.extract_strided_slice %slice3A {offsets = [0, 3], sizes = [400, 1], strides = [1, 1]} : vector<400x18xf32> to vector<400x1xf32>
    %mul3A_143 = vector.broadcast %slice3A_142 : vector<400x1xf32> to vector<400x200xf32>
    %mul3A_144 = arith.mulf %select_n3A_136, %mul3A_143 : vector<400x200xf32>
    %add3A_145 = arith.addf %add3A_124, %mul3A_144 : vector<400x200xf32>
    %slice3A_146 = vector.extract_strided_slice %add3A_55 {offsets = [0, 4], sizes = [400, 1], strides = [1, 1]} : vector<400x18xf32> to vector<400x1xf32>
    %eq3A_147 = vector.broadcast %slice3A_146 : vector<400x1xf32> to vector<400x200xf32>
    %eq3A_148 = vector.broadcast %convert_element_type3A_57 : vector<1x200xf32> to vector<400x200xf32>
    %eq3A_149 = arith.cmpf oeq, %eq3A_147, %eq3A_148 : vector<400x200xf32>
    %slice3A_150 = vector.extract_strided_slice %or3A {offsets = [0, 4], sizes = [400, 1], strides = [1, 1]} : vector<400x18xi1> to vector<400x1xi1>
    %and3A_151 = vector.broadcast %slice3A_150 : vector<400x1xi1> to vector<400x200xi1>
    %and3A_152 = arith.andi %eq3A_149, %and3A_151 : vector<400x200xi1>
    %jit3A_153 = arith.constant 1.000000e+00 : f32
    %jit3A_154 = arith.constant 0.000000e+00 : f32
    %broadcast_in_dim3A_155 = vector.broadcast %jit3A_153 : f32 to vector<400x200xf32>
    %broadcast_in_dim3A_156 = vector.broadcast %jit3A_154 : f32 to vector<400x200xf32>
    %select_n3A_157 = arith.select %and3A_152, %broadcast_in_dim3A_155, %broadcast_in_dim3A_156 : vector<400x200xi1>, vector<400x200xf32>
    %add3A_158 = arith.addf %add3A_137, %select_n3A_157 : vector<400x200xf32>
    %mul3A_159 = arith.constant 4.000000e+00 : f32
    %mul3A_160 = vector.broadcast %mul3A_159 : f32 to vector<400x200xf32>
    %mul3A_161 = arith.mulf %select_n3A_157, %mul3A_160 : vector<400x200xf32>
    %add3A_162 = arith.addf %add3A_141, %mul3A_161 : vector<400x200xf32>
    %slice3A_163 = vector.extract_strided_slice %slice3A {offsets = [0, 4], sizes = [400, 1], strides = [1, 1]} : vector<400x18xf32> to vector<400x1xf32>
    %mul3A_164 = vector.broadcast %slice3A_163 : vector<400x1xf32> to vector<400x200xf32>
    %mul3A_165 = arith.mulf %select_n3A_157, %mul3A_164 : vector<400x200xf32>
    %add3A_166 = arith.addf %add3A_145, %mul3A_165 : vector<400x200xf32>
    %slice3A_167 = vector.extract_strided_slice %add3A_55 {offsets = [0, 5], sizes = [400, 1], strides = [1, 1]} : vector<400x18xf32> to vector<400x1xf32>
    %eq3A_168 = vector.broadcast %slice3A_167 : vector<400x1xf32> to vector<400x200xf32>
    %eq3A_169 = vector.broadcast %convert_element_type3A_57 : vector<1x200xf32> to vector<400x200xf32>
    %eq3A_170 = arith.cmpf oeq, %eq3A_168, %eq3A_169 : vector<400x200xf32>
    %slice3A_171 = vector.extract_strided_slice %or3A {offsets = [0, 5], sizes = [400, 1], strides = [1, 1]} : vector<400x18xi1> to vector<400x1xi1>
    %and3A_172 = vector.broadcast %slice3A_171 : vector<400x1xi1> to vector<400x200xi1>
    %and3A_173 = arith.andi %eq3A_170, %and3A_172 : vector<400x200xi1>
    %jit3A_174 = arith.constant 1.000000e+00 : f32
    %jit3A_175 = arith.constant 0.000000e+00 : f32
    %broadcast_in_dim3A_176 = vector.broadcast %jit3A_174 : f32 to vector<400x200xf32>
    %broadcast_in_dim3A_177 = vector.broadcast %jit3A_175 : f32 to vector<400x200xf32>
    %select_n3A_178 = arith.select %and3A_173, %broadcast_in_dim3A_176, %broadcast_in_dim3A_177 : vector<400x200xi1>, vector<400x200xf32>
    %add3A_179 = arith.addf %add3A_158, %select_n3A_178 : vector<400x200xf32>
    %mul3A_180 = arith.constant 5.000000e+00 : f32
    %mul3A_181 = vector.broadcast %mul3A_180 : f32 to vector<400x200xf32>
    %mul3A_182 = arith.mulf %select_n3A_178, %mul3A_181 : vector<400x200xf32>
    %add3A_183 = arith.addf %add3A_162, %mul3A_182 : vector<400x200xf32>
    %slice3A_184 = vector.extract_strided_slice %slice3A {offsets = [0, 5], sizes = [400, 1], strides = [1, 1]} : vector<400x18xf32> to vector<400x1xf32>
    %mul3A_185 = vector.broadcast %slice3A_184 : vector<400x1xf32> to vector<400x200xf32>
    %mul3A_186 = arith.mulf %select_n3A_178, %mul3A_185 : vector<400x200xf32>
    %add3A_187 = arith.addf %add3A_166, %mul3A_186 : vector<400x200xf32>
    %slice3A_188 = vector.extract_strided_slice %add3A_55 {offsets = [0, 6], sizes = [400, 1], strides = [1, 1]} : vector<400x18xf32> to vector<400x1xf32>
    %eq3A_189 = vector.broadcast %slice3A_188 : vector<400x1xf32> to vector<400x200xf32>
    %eq3A_190 = vector.broadcast %convert_element_type3A_57 : vector<1x200xf32> to vector<400x200xf32>
    %eq3A_191 = arith.cmpf oeq, %eq3A_189, %eq3A_190 : vector<400x200xf32>
    %slice3A_192 = vector.extract_strided_slice %or3A {offsets = [0, 6], sizes = [400, 1], strides = [1, 1]} : vector<400x18xi1> to vector<400x1xi1>
    %and3A_193 = vector.broadcast %slice3A_192 : vector<400x1xi1> to vector<400x200xi1>
    %and3A_194 = arith.andi %eq3A_191, %and3A_193 : vector<400x200xi1>
    %jit3A_195 = arith.constant 1.000000e+00 : f32
    %jit3A_196 = arith.constant 0.000000e+00 : f32
    %broadcast_in_dim3A_197 = vector.broadcast %jit3A_195 : f32 to vector<400x200xf32>
    %broadcast_in_dim3A_198 = vector.broadcast %jit3A_196 : f32 to vector<400x200xf32>
    %select_n3A_199 = arith.select %and3A_194, %broadcast_in_dim3A_197, %broadcast_in_dim3A_198 : vector<400x200xi1>, vector<400x200xf32>
    %add3A_200 = arith.addf %add3A_179, %select_n3A_199 : vector<400x200xf32>
    %mul3A_201 = arith.constant 6.000000e+00 : f32
    %mul3A_202 = vector.broadcast %mul3A_201 : f32 to vector<400x200xf32>
    %mul3A_203 = arith.mulf %select_n3A_199, %mul3A_202 : vector<400x200xf32>
    %add3A_204 = arith.addf %add3A_183, %mul3A_203 : vector<400x200xf32>
    %slice3A_205 = vector.extract_strided_slice %slice3A {offsets = [0, 6], sizes = [400, 1], strides = [1, 1]} : vector<400x18xf32> to vector<400x1xf32>
    %mul3A_206 = vector.broadcast %slice3A_205 : vector<400x1xf32> to vector<400x200xf32>
    %mul3A_207 = arith.mulf %select_n3A_199, %mul3A_206 : vector<400x200xf32>
    %add3A_208 = arith.addf %add3A_187, %mul3A_207 : vector<400x200xf32>
    %slice3A_209 = vector.extract_strided_slice %add3A_55 {offsets = [0, 7], sizes = [400, 1], strides = [1, 1]} : vector<400x18xf32> to vector<400x1xf32>
    %eq3A_210 = vector.broadcast %slice3A_209 : vector<400x1xf32> to vector<400x200xf32>
    %eq3A_211 = vector.broadcast %convert_element_type3A_57 : vector<1x200xf32> to vector<400x200xf32>
    %eq3A_212 = arith.cmpf oeq, %eq3A_210, %eq3A_211 : vector<400x200xf32>
    %slice3A_213 = vector.extract_strided_slice %or3A {offsets = [0, 7], sizes = [400, 1], strides = [1, 1]} : vector<400x18xi1> to vector<400x1xi1>
    %and3A_214 = vector.broadcast %slice3A_213 : vector<400x1xi1> to vector<400x200xi1>
    %and3A_215 = arith.andi %eq3A_212, %and3A_214 : vector<400x200xi1>
    %jit3A_216 = arith.constant 1.000000e+00 : f32
    %jit3A_217 = arith.constant 0.000000e+00 : f32
    %broadcast_in_dim3A_218 = vector.broadcast %jit3A_216 : f32 to vector<400x200xf32>
    %broadcast_in_dim3A_219 = vector.broadcast %jit3A_217 : f32 to vector<400x200xf32>
    %select_n3A_220 = arith.select %and3A_215, %broadcast_in_dim3A_218, %broadcast_in_dim3A_219 : vector<400x200xi1>, vector<400x200xf32>
    %add3A_221 = arith.addf %add3A_200, %select_n3A_220 : vector<400x200xf32>
    %mul3A_222 = arith.constant 7.000000e+00 : f32
    %mul3A_223 = vector.broadcast %mul3A_222 : f32 to vector<400x200xf32>
    %mul3A_224 = arith.mulf %select_n3A_220, %mul3A_223 : vector<400x200xf32>
    %add3A_225 = arith.addf %add3A_204, %mul3A_224 : vector<400x200xf32>
    %slice3A_226 = vector.extract_strided_slice %slice3A {offsets = [0, 7], sizes = [400, 1], strides = [1, 1]} : vector<400x18xf32> to vector<400x1xf32>
    %mul3A_227 = vector.broadcast %slice3A_226 : vector<400x1xf32> to vector<400x200xf32>
    %mul3A_228 = arith.mulf %select_n3A_220, %mul3A_227 : vector<400x200xf32>
    %add3A_229 = arith.addf %add3A_208, %mul3A_228 : vector<400x200xf32>
    %slice3A_230 = vector.extract_strided_slice %add3A_55 {offsets = [0, 8], sizes = [400, 1], strides = [1, 1]} : vector<400x18xf32> to vector<400x1xf32>
    %eq3A_231 = vector.broadcast %slice3A_230 : vector<400x1xf32> to vector<400x200xf32>
    %eq3A_232 = vector.broadcast %convert_element_type3A_57 : vector<1x200xf32> to vector<400x200xf32>
    %eq3A_233 = arith.cmpf oeq, %eq3A_231, %eq3A_232 : vector<400x200xf32>
    %slice3A_234 = vector.extract_strided_slice %or3A {offsets = [0, 8], sizes = [400, 1], strides = [1, 1]} : vector<400x18xi1> to vector<400x1xi1>
    %and3A_235 = vector.broadcast %slice3A_234 : vector<400x1xi1> to vector<400x200xi1>
    %and3A_236 = arith.andi %eq3A_233, %and3A_235 : vector<400x200xi1>
    %jit3A_237 = arith.constant 1.000000e+00 : f32
    %jit3A_238 = arith.constant 0.000000e+00 : f32
    %broadcast_in_dim3A_239 = vector.broadcast %jit3A_237 : f32 to vector<400x200xf32>
    %broadcast_in_dim3A_240 = vector.broadcast %jit3A_238 : f32 to vector<400x200xf32>
    %select_n3A_241 = arith.select %and3A_236, %broadcast_in_dim3A_239, %broadcast_in_dim3A_240 : vector<400x200xi1>, vector<400x200xf32>
    %add3A_242 = arith.addf %add3A_221, %select_n3A_241 : vector<400x200xf32>
    %mul3A_243 = arith.constant 8.000000e+00 : f32
    %mul3A_244 = vector.broadcast %mul3A_243 : f32 to vector<400x200xf32>
    %mul3A_245 = arith.mulf %select_n3A_241, %mul3A_244 : vector<400x200xf32>
    %add3A_246 = arith.addf %add3A_225, %mul3A_245 : vector<400x200xf32>
    %slice3A_247 = vector.extract_strided_slice %slice3A {offsets = [0, 8], sizes = [400, 1], strides = [1, 1]} : vector<400x18xf32> to vector<400x1xf32>
    %mul3A_248 = vector.broadcast %slice3A_247 : vector<400x1xf32> to vector<400x200xf32>
    %mul3A_249 = arith.mulf %select_n3A_241, %mul3A_248 : vector<400x200xf32>
    %add3A_250 = arith.addf %add3A_229, %mul3A_249 : vector<400x200xf32>
    %slice3A_251 = vector.extract_strided_slice %add3A_55 {offsets = [0, 9], sizes = [400, 1], strides = [1, 1]} : vector<400x18xf32> to vector<400x1xf32>
    %eq3A_252 = vector.broadcast %slice3A_251 : vector<400x1xf32> to vector<400x200xf32>
    %eq3A_253 = vector.broadcast %convert_element_type3A_57 : vector<1x200xf32> to vector<400x200xf32>
    %eq3A_254 = arith.cmpf oeq, %eq3A_252, %eq3A_253 : vector<400x200xf32>
    %slice3A_255 = vector.extract_strided_slice %or3A {offsets = [0, 9], sizes = [400, 1], strides = [1, 1]} : vector<400x18xi1> to vector<400x1xi1>
    %and3A_256 = vector.broadcast %slice3A_255 : vector<400x1xi1> to vector<400x200xi1>
    %and3A_257 = arith.andi %eq3A_254, %and3A_256 : vector<400x200xi1>
    %jit3A_258 = arith.constant 1.000000e+00 : f32
    %jit3A_259 = arith.constant 0.000000e+00 : f32
    %broadcast_in_dim3A_260 = vector.broadcast %jit3A_258 : f32 to vector<400x200xf32>
    %broadcast_in_dim3A_261 = vector.broadcast %jit3A_259 : f32 to vector<400x200xf32>
    %select_n3A_262 = arith.select %and3A_257, %broadcast_in_dim3A_260, %broadcast_in_dim3A_261 : vector<400x200xi1>, vector<400x200xf32>
    %add3A_263 = arith.addf %add3A_242, %select_n3A_262 : vector<400x200xf32>
    %mul3A_264 = arith.constant 9.000000e+00 : f32
    %mul3A_265 = vector.broadcast %mul3A_264 : f32 to vector<400x200xf32>
    %mul3A_266 = arith.mulf %select_n3A_262, %mul3A_265 : vector<400x200xf32>
    %add3A_267 = arith.addf %add3A_246, %mul3A_266 : vector<400x200xf32>
    %slice3A_268 = vector.extract_strided_slice %slice3A {offsets = [0, 9], sizes = [400, 1], strides = [1, 1]} : vector<400x18xf32> to vector<400x1xf32>
    %mul3A_269 = vector.broadcast %slice3A_268 : vector<400x1xf32> to vector<400x200xf32>
    %mul3A_270 = arith.mulf %select_n3A_262, %mul3A_269 : vector<400x200xf32>
    %add3A_271 = arith.addf %add3A_250, %mul3A_270 : vector<400x200xf32>
    %slice3A_272 = vector.extract_strided_slice %add3A_55 {offsets = [0, 10], sizes = [400, 1], strides = [1, 1]} : vector<400x18xf32> to vector<400x1xf32>
    %eq3A_273 = vector.broadcast %slice3A_272 : vector<400x1xf32> to vector<400x200xf32>
    %eq3A_274 = vector.broadcast %convert_element_type3A_57 : vector<1x200xf32> to vector<400x200xf32>
    %eq3A_275 = arith.cmpf oeq, %eq3A_273, %eq3A_274 : vector<400x200xf32>
    %slice3A_276 = vector.extract_strided_slice %or3A {offsets = [0, 10], sizes = [400, 1], strides = [1, 1]} : vector<400x18xi1> to vector<400x1xi1>
    %and3A_277 = vector.broadcast %slice3A_276 : vector<400x1xi1> to vector<400x200xi1>
    %and3A_278 = arith.andi %eq3A_275, %and3A_277 : vector<400x200xi1>
    %jit3A_279 = arith.constant 1.000000e+00 : f32
    %jit3A_280 = arith.constant 0.000000e+00 : f32
    %broadcast_in_dim3A_281 = vector.broadcast %jit3A_279 : f32 to vector<400x200xf32>
    %broadcast_in_dim3A_282 = vector.broadcast %jit3A_280 : f32 to vector<400x200xf32>
    %select_n3A_283 = arith.select %and3A_278, %broadcast_in_dim3A_281, %broadcast_in_dim3A_282 : vector<400x200xi1>, vector<400x200xf32>
    %add3A_284 = arith.addf %add3A_263, %select_n3A_283 : vector<400x200xf32>
    %mul3A_285 = arith.constant 1.000000e+01 : f32
    %mul3A_286 = vector.broadcast %mul3A_285 : f32 to vector<400x200xf32>
    %mul3A_287 = arith.mulf %select_n3A_283, %mul3A_286 : vector<400x200xf32>
    %add3A_288 = arith.addf %add3A_267, %mul3A_287 : vector<400x200xf32>
    %slice3A_289 = vector.extract_strided_slice %slice3A {offsets = [0, 10], sizes = [400, 1], strides = [1, 1]} : vector<400x18xf32> to vector<400x1xf32>
    %mul3A_290 = vector.broadcast %slice3A_289 : vector<400x1xf32> to vector<400x200xf32>
    %mul3A_291 = arith.mulf %select_n3A_283, %mul3A_290 : vector<400x200xf32>
    %add3A_292 = arith.addf %add3A_271, %mul3A_291 : vector<400x200xf32>
    %slice3A_293 = vector.extract_strided_slice %add3A_55 {offsets = [0, 11], sizes = [400, 1], strides = [1, 1]} : vector<400x18xf32> to vector<400x1xf32>
    %eq3A_294 = vector.broadcast %slice3A_293 : vector<400x1xf32> to vector<400x200xf32>
    %eq3A_295 = vector.broadcast %convert_element_type3A_57 : vector<1x200xf32> to vector<400x200xf32>
    %eq3A_296 = arith.cmpf oeq, %eq3A_294, %eq3A_295 : vector<400x200xf32>
    %slice3A_297 = vector.extract_strided_slice %or3A {offsets = [0, 11], sizes = [400, 1], strides = [1, 1]} : vector<400x18xi1> to vector<400x1xi1>
    %and3A_298 = vector.broadcast %slice3A_297 : vector<400x1xi1> to vector<400x200xi1>
    %and3A_299 = arith.andi %eq3A_296, %and3A_298 : vector<400x200xi1>
    %jit3A_300 = arith.constant 1.000000e+00 : f32
    %jit3A_301 = arith.constant 0.000000e+00 : f32
    %broadcast_in_dim3A_302 = vector.broadcast %jit3A_300 : f32 to vector<400x200xf32>
    %broadcast_in_dim3A_303 = vector.broadcast %jit3A_301 : f32 to vector<400x200xf32>
    %select_n3A_304 = arith.select %and3A_299, %broadcast_in_dim3A_302, %broadcast_in_dim3A_303 : vector<400x200xi1>, vector<400x200xf32>
    %add3A_305 = arith.addf %add3A_284, %select_n3A_304 : vector<400x200xf32>
    %mul3A_306 = arith.constant 1.100000e+01 : f32
    %mul3A_307 = vector.broadcast %mul3A_306 : f32 to vector<400x200xf32>
    %mul3A_308 = arith.mulf %select_n3A_304, %mul3A_307 : vector<400x200xf32>
    %add3A_309 = arith.addf %add3A_288, %mul3A_308 : vector<400x200xf32>
    %slice3A_310 = vector.extract_strided_slice %slice3A {offsets = [0, 11], sizes = [400, 1], strides = [1, 1]} : vector<400x18xf32> to vector<400x1xf32>
    %mul3A_311 = vector.broadcast %slice3A_310 : vector<400x1xf32> to vector<400x200xf32>
    %mul3A_312 = arith.mulf %select_n3A_304, %mul3A_311 : vector<400x200xf32>
    %add3A_313 = arith.addf %add3A_292, %mul3A_312 : vector<400x200xf32>
    %slice3A_314 = vector.extract_strided_slice %add3A_55 {offsets = [0, 12], sizes = [400, 1], strides = [1, 1]} : vector<400x18xf32> to vector<400x1xf32>
    %eq3A_315 = vector.broadcast %slice3A_314 : vector<400x1xf32> to vector<400x200xf32>
    %eq3A_316 = vector.broadcast %convert_element_type3A_57 : vector<1x200xf32> to vector<400x200xf32>
    %eq3A_317 = arith.cmpf oeq, %eq3A_315, %eq3A_316 : vector<400x200xf32>
    %slice3A_318 = vector.extract_strided_slice %or3A {offsets = [0, 12], sizes = [400, 1], strides = [1, 1]} : vector<400x18xi1> to vector<400x1xi1>
    %and3A_319 = vector.broadcast %slice3A_318 : vector<400x1xi1> to vector<400x200xi1>
    %and3A_320 = arith.andi %eq3A_317, %and3A_319 : vector<400x200xi1>
    %jit3A_321 = arith.constant 1.000000e+00 : f32
    %jit3A_322 = arith.constant 0.000000e+00 : f32
    %broadcast_in_dim3A_323 = vector.broadcast %jit3A_321 : f32 to vector<400x200xf32>
    %broadcast_in_dim3A_324 = vector.broadcast %jit3A_322 : f32 to vector<400x200xf32>
    %select_n3A_325 = arith.select %and3A_320, %broadcast_in_dim3A_323, %broadcast_in_dim3A_324 : vector<400x200xi1>, vector<400x200xf32>
    %add3A_326 = arith.addf %add3A_305, %select_n3A_325 : vector<400x200xf32>
    %mul3A_327 = arith.constant 1.200000e+01 : f32
    %mul3A_328 = vector.broadcast %mul3A_327 : f32 to vector<400x200xf32>
    %mul3A_329 = arith.mulf %select_n3A_325, %mul3A_328 : vector<400x200xf32>
    %add3A_330 = arith.addf %add3A_309, %mul3A_329 : vector<400x200xf32>
    %slice3A_331 = vector.extract_strided_slice %slice3A {offsets = [0, 12], sizes = [400, 1], strides = [1, 1]} : vector<400x18xf32> to vector<400x1xf32>
    %mul3A_332 = vector.broadcast %slice3A_331 : vector<400x1xf32> to vector<400x200xf32>
    %mul3A_333 = arith.mulf %select_n3A_325, %mul3A_332 : vector<400x200xf32>
    %add3A_334 = arith.addf %add3A_313, %mul3A_333 : vector<400x200xf32>
    %slice3A_335 = vector.extract_strided_slice %add3A_55 {offsets = [0, 13], sizes = [400, 1], strides = [1, 1]} : vector<400x18xf32> to vector<400x1xf32>
    %eq3A_336 = vector.broadcast %slice3A_335 : vector<400x1xf32> to vector<400x200xf32>
    %eq3A_337 = vector.broadcast %convert_element_type3A_57 : vector<1x200xf32> to vector<400x200xf32>
    %eq3A_338 = arith.cmpf oeq, %eq3A_336, %eq3A_337 : vector<400x200xf32>
    %slice3A_339 = vector.extract_strided_slice %or3A {offsets = [0, 13], sizes = [400, 1], strides = [1, 1]} : vector<400x18xi1> to vector<400x1xi1>
    %and3A_340 = vector.broadcast %slice3A_339 : vector<400x1xi1> to vector<400x200xi1>
    %and3A_341 = arith.andi %eq3A_338, %and3A_340 : vector<400x200xi1>
    %jit3A_342 = arith.constant 1.000000e+00 : f32
    %jit3A_343 = arith.constant 0.000000e+00 : f32
    %broadcast_in_dim3A_344 = vector.broadcast %jit3A_342 : f32 to vector<400x200xf32>
    %broadcast_in_dim3A_345 = vector.broadcast %jit3A_343 : f32 to vector<400x200xf32>
    %select_n3A_346 = arith.select %and3A_341, %broadcast_in_dim3A_344, %broadcast_in_dim3A_345 : vector<400x200xi1>, vector<400x200xf32>
    %add3A_347 = arith.addf %add3A_326, %select_n3A_346 : vector<400x200xf32>
    %mul3A_348 = arith.constant 1.300000e+01 : f32
    %mul3A_349 = vector.broadcast %mul3A_348 : f32 to vector<400x200xf32>
    %mul3A_350 = arith.mulf %select_n3A_346, %mul3A_349 : vector<400x200xf32>
    %add3A_351 = arith.addf %add3A_330, %mul3A_350 : vector<400x200xf32>
    %slice3A_352 = vector.extract_strided_slice %slice3A {offsets = [0, 13], sizes = [400, 1], strides = [1, 1]} : vector<400x18xf32> to vector<400x1xf32>
    %mul3A_353 = vector.broadcast %slice3A_352 : vector<400x1xf32> to vector<400x200xf32>
    %mul3A_354 = arith.mulf %select_n3A_346, %mul3A_353 : vector<400x200xf32>
    %add3A_355 = arith.addf %add3A_334, %mul3A_354 : vector<400x200xf32>
    %slice3A_356 = vector.extract_strided_slice %add3A_55 {offsets = [0, 14], sizes = [400, 1], strides = [1, 1]} : vector<400x18xf32> to vector<400x1xf32>
    %eq3A_357 = vector.broadcast %slice3A_356 : vector<400x1xf32> to vector<400x200xf32>
    %eq3A_358 = vector.broadcast %convert_element_type3A_57 : vector<1x200xf32> to vector<400x200xf32>
    %eq3A_359 = arith.cmpf oeq, %eq3A_357, %eq3A_358 : vector<400x200xf32>
    %slice3A_360 = vector.extract_strided_slice %or3A {offsets = [0, 14], sizes = [400, 1], strides = [1, 1]} : vector<400x18xi1> to vector<400x1xi1>
    %and3A_361 = vector.broadcast %slice3A_360 : vector<400x1xi1> to vector<400x200xi1>
    %and3A_362 = arith.andi %eq3A_359, %and3A_361 : vector<400x200xi1>
    %jit3A_363 = arith.constant 1.000000e+00 : f32
    %jit3A_364 = arith.constant 0.000000e+00 : f32
    %broadcast_in_dim3A_365 = vector.broadcast %jit3A_363 : f32 to vector<400x200xf32>
    %broadcast_in_dim3A_366 = vector.broadcast %jit3A_364 : f32 to vector<400x200xf32>
    %select_n3A_367 = arith.select %and3A_362, %broadcast_in_dim3A_365, %broadcast_in_dim3A_366 : vector<400x200xi1>, vector<400x200xf32>
    %add3A_368 = arith.addf %add3A_347, %select_n3A_367 : vector<400x200xf32>
    %mul3A_369 = arith.constant 1.400000e+01 : f32
    %mul3A_370 = vector.broadcast %mul3A_369 : f32 to vector<400x200xf32>
    %mul3A_371 = arith.mulf %select_n3A_367, %mul3A_370 : vector<400x200xf32>
    %add3A_372 = arith.addf %add3A_351, %mul3A_371 : vector<400x200xf32>
    %slice3A_373 = vector.extract_strided_slice %slice3A {offsets = [0, 14], sizes = [400, 1], strides = [1, 1]} : vector<400x18xf32> to vector<400x1xf32>
    %mul3A_374 = vector.broadcast %slice3A_373 : vector<400x1xf32> to vector<400x200xf32>
    %mul3A_375 = arith.mulf %select_n3A_367, %mul3A_374 : vector<400x200xf32>
    %add3A_376 = arith.addf %add3A_355, %mul3A_375 : vector<400x200xf32>
    %slice3A_377 = vector.extract_strided_slice %add3A_55 {offsets = [0, 15], sizes = [400, 1], strides = [1, 1]} : vector<400x18xf32> to vector<400x1xf32>
    %eq3A_378 = vector.broadcast %slice3A_377 : vector<400x1xf32> to vector<400x200xf32>
    %eq3A_379 = vector.broadcast %convert_element_type3A_57 : vector<1x200xf32> to vector<400x200xf32>
    %eq3A_380 = arith.cmpf oeq, %eq3A_378, %eq3A_379 : vector<400x200xf32>
    %slice3A_381 = vector.extract_strided_slice %or3A {offsets = [0, 15], sizes = [400, 1], strides = [1, 1]} : vector<400x18xi1> to vector<400x1xi1>
    %and3A_382 = vector.broadcast %slice3A_381 : vector<400x1xi1> to vector<400x200xi1>
    %and3A_383 = arith.andi %eq3A_380, %and3A_382 : vector<400x200xi1>
    %jit3A_384 = arith.constant 1.000000e+00 : f32
    %jit3A_385 = arith.constant 0.000000e+00 : f32
    %broadcast_in_dim3A_386 = vector.broadcast %jit3A_384 : f32 to vector<400x200xf32>
    %broadcast_in_dim3A_387 = vector.broadcast %jit3A_385 : f32 to vector<400x200xf32>
    %select_n3A_388 = arith.select %and3A_383, %broadcast_in_dim3A_386, %broadcast_in_dim3A_387 : vector<400x200xi1>, vector<400x200xf32>
    %add3A_389 = arith.addf %add3A_368, %select_n3A_388 : vector<400x200xf32>
    %mul3A_390 = arith.constant 1.500000e+01 : f32
    %mul3A_391 = vector.broadcast %mul3A_390 : f32 to vector<400x200xf32>
    %mul3A_392 = arith.mulf %select_n3A_388, %mul3A_391 : vector<400x200xf32>
    %add3A_393 = arith.addf %add3A_372, %mul3A_392 : vector<400x200xf32>
    %slice3A_394 = vector.extract_strided_slice %slice3A {offsets = [0, 15], sizes = [400, 1], strides = [1, 1]} : vector<400x18xf32> to vector<400x1xf32>
    %mul3A_395 = vector.broadcast %slice3A_394 : vector<400x1xf32> to vector<400x200xf32>
    %mul3A_396 = arith.mulf %select_n3A_388, %mul3A_395 : vector<400x200xf32>
    %add3A_397 = arith.addf %add3A_376, %mul3A_396 : vector<400x200xf32>
    %slice3A_398 = vector.extract_strided_slice %add3A_55 {offsets = [0, 16], sizes = [400, 1], strides = [1, 1]} : vector<400x18xf32> to vector<400x1xf32>
    %eq3A_399 = vector.broadcast %slice3A_398 : vector<400x1xf32> to vector<400x200xf32>
    %eq3A_400 = vector.broadcast %convert_element_type3A_57 : vector<1x200xf32> to vector<400x200xf32>
    %eq3A_401 = arith.cmpf oeq, %eq3A_399, %eq3A_400 : vector<400x200xf32>
    %slice3A_402 = vector.extract_strided_slice %or3A {offsets = [0, 16], sizes = [400, 1], strides = [1, 1]} : vector<400x18xi1> to vector<400x1xi1>
    %and3A_403 = vector.broadcast %slice3A_402 : vector<400x1xi1> to vector<400x200xi1>
    %and3A_404 = arith.andi %eq3A_401, %and3A_403 : vector<400x200xi1>
    %jit3A_405 = arith.constant 1.000000e+00 : f32
    %jit3A_406 = arith.constant 0.000000e+00 : f32
    %broadcast_in_dim3A_407 = vector.broadcast %jit3A_405 : f32 to vector<400x200xf32>
    %broadcast_in_dim3A_408 = vector.broadcast %jit3A_406 : f32 to vector<400x200xf32>
    %select_n3A_409 = arith.select %and3A_404, %broadcast_in_dim3A_407, %broadcast_in_dim3A_408 : vector<400x200xi1>, vector<400x200xf32>
    %add3A_410 = arith.addf %add3A_389, %select_n3A_409 : vector<400x200xf32>
    %mul3A_411 = arith.constant 1.600000e+01 : f32
    %mul3A_412 = vector.broadcast %mul3A_411 : f32 to vector<400x200xf32>
    %mul3A_413 = arith.mulf %select_n3A_409, %mul3A_412 : vector<400x200xf32>
    %add3A_414 = arith.addf %add3A_393, %mul3A_413 : vector<400x200xf32>
    %slice3A_415 = vector.extract_strided_slice %slice3A {offsets = [0, 16], sizes = [400, 1], strides = [1, 1]} : vector<400x18xf32> to vector<400x1xf32>
    %mul3A_416 = vector.broadcast %slice3A_415 : vector<400x1xf32> to vector<400x200xf32>
    %mul3A_417 = arith.mulf %select_n3A_409, %mul3A_416 : vector<400x200xf32>
    %add3A_418 = arith.addf %add3A_397, %mul3A_417 : vector<400x200xf32>
    %slice3A_419 = vector.extract_strided_slice %add3A_55 {offsets = [0, 17], sizes = [400, 1], strides = [1, 1]} : vector<400x18xf32> to vector<400x1xf32>
    %eq3A_420 = vector.broadcast %slice3A_419 : vector<400x1xf32> to vector<400x200xf32>
    %eq3A_421 = vector.broadcast %convert_element_type3A_57 : vector<1x200xf32> to vector<400x200xf32>
    %eq3A_422 = arith.cmpf oeq, %eq3A_420, %eq3A_421 : vector<400x200xf32>
    %slice3A_423 = vector.extract_strided_slice %or3A {offsets = [0, 17], sizes = [400, 1], strides = [1, 1]} : vector<400x18xi1> to vector<400x1xi1>
    %and3A_424 = vector.broadcast %slice3A_423 : vector<400x1xi1> to vector<400x200xi1>
    %and3A_425 = arith.andi %eq3A_422, %and3A_424 : vector<400x200xi1>
    %jit3A_426 = arith.constant 1.000000e+00 : f32
    %jit3A_427 = arith.constant 0.000000e+00 : f32
    %broadcast_in_dim3A_428 = vector.broadcast %jit3A_426 : f32 to vector<400x200xf32>
    %broadcast_in_dim3A_429 = vector.broadcast %jit3A_427 : f32 to vector<400x200xf32>
    %select_n3A_430 = arith.select %and3A_425, %broadcast_in_dim3A_428, %broadcast_in_dim3A_429 : vector<400x200xi1>, vector<400x200xf32>
    %add3A_431 = arith.addf %add3A_410, %select_n3A_430 : vector<400x200xf32>
    %mul3A_432 = arith.constant 1.700000e+01 : f32
    %mul3A_433 = vector.broadcast %mul3A_432 : f32 to vector<400x200xf32>
    %mul3A_434 = arith.mulf %select_n3A_430, %mul3A_433 : vector<400x200xf32>
    %add3A_435 = arith.addf %add3A_414, %mul3A_434 : vector<400x200xf32>
    %slice3A_436 = vector.extract_strided_slice %slice3A {offsets = [0, 17], sizes = [400, 1], strides = [1, 1]} : vector<400x18xf32> to vector<400x1xf32>
    %mul3A_437 = vector.broadcast %slice3A_436 : vector<400x1xf32> to vector<400x200xf32>
    %mul3A_438 = arith.mulf %select_n3A_430, %mul3A_437 : vector<400x200xf32>
    %add3A_439 = arith.addf %add3A_418, %mul3A_438 : vector<400x200xf32>
    %reduce_sum3A_440 = arith.constant dense<0.000000e+00> : vector<200xf32>
    %reduce_sum3A_441 = vector.multi_reduction <add>, %add3A_435, %reduce_sum3A_440 [0] : vector<400x200xf32> to vector<200xf32>
    %broadcast_in_dim3A_442 = vector.shape_cast %reduce_sum3A_441 : vector<200xf32> to vector<1x200xf32>
    %reduce_sum3A_443 = arith.constant dense<0.000000e+00> : vector<200xf32>
    %reduce_sum3A_444 = vector.multi_reduction <add>, %add3A_439, %reduce_sum3A_443 [0] : vector<400x200xf32> to vector<200xf32>
    %broadcast_in_dim3A_445 = vector.shape_cast %reduce_sum3A_444 : vector<200xf32> to vector<1x200xf32>
    %dot_general3A_446 = arith.constant dense<0.000000e+00> : vector<200x4096xf32>
    %dot_general3A_447 = tpu.matmul %add3A_431, %get3A_4, %dot_general3A_446 {dimension_numbers = #tpu.dot_dimension_numbers<[0], [0], [1], [1], [0, 1, 1, 1], [], []>, precision = #tpu.contract_precision<fp32>, transpose_lhs_hint = false} : vector<400x200xf32>, vector<400x4096xf32>, vector<200x4096xf32> -> vector<200x4096xf32>
    %neg3A = arith.constant 0.000000e+00 : f32
    %neg3A_448 = vector.broadcast %neg3A : f32 to vector<200x4096xf32>
    %neg3A_449 = arith.subf %neg3A_448, %dot_general3A_447 : vector<200x4096xf32>
    %exp3A_450 = math.exp %neg3A_449 : vector<200x4096xf32>
    %add3A_451 = arith.constant 1.000000e+00 : f32
    %add3A_452 = vector.broadcast %add3A_451 : f32 to vector<200x4096xf32>
    %add3A_453 = arith.addf %add3A_452, %exp3A_450 : vector<200x4096xf32>
    %div3A_454 = arith.constant 1.000000e+00 : f32
    %div3A_455 = vector.broadcast %div3A_454 : f32 to vector<200x4096xf32>
    %div3A_456 = arith.divf %div3A_455, %add3A_453 : vector<200x4096xf32>
    %gt3A_457 = arith.constant 0.000000e+00 : f32
    %gt3A_458 = vector.broadcast %gt3A_457 : f32 to vector<200x4096xf32>
    %gt3A_459 = arith.cmpf ogt, %dot_general3A_447, %gt3A_458 : vector<200x4096xf32>
    %convert_element_type3A_460 = arith.extui %gt3A_459 : vector<200x4096xi1> to vector<200x4096xi32>
    %convert_element_type3A_461 = arith.sitofp %convert_element_type3A_460 : vector<200x4096xi32> to vector<200x4096xf32>
    %mul3A_462 = arith.mulf %div3A_456, %convert_element_type3A_461 : vector<200x4096xf32>
    %reduce_sum3A_463 = arith.constant dense<0.000000e+00> : vector<200xf32>
    %reduce_sum3A_464 = vector.multi_reduction <add>, %mul3A_462, %reduce_sum3A_463 [1] : vector<200x4096xf32> to vector<200xf32>
    %broadcast_in_dim3A_465 = vector.shape_cast %reduce_sum3A_464 : vector<200xf32> to vector<200x1xf32>
    %reduce_sum3A_466 = arith.constant dense<0.000000e+00> : vector<200xf32>
    %reduce_sum3A_467 = vector.multi_reduction <add>, %convert_element_type3A_461, %reduce_sum3A_466 [1] : vector<200x4096xf32> to vector<200xf32>
    %broadcast_in_dim3A_468 = vector.shape_cast %reduce_sum3A_467 : vector<200xf32> to vector<200x1xf32>
    %add3A_469 = arith.constant 9.99999997E-7 : f32
    %add3A_470 = vector.broadcast %add3A_469 : f32 to vector<200x1xf32>
    %add3A_471 = arith.addf %broadcast_in_dim3A_468, %add3A_470 : vector<200x1xf32>
    %div3A_472 = arith.divf %broadcast_in_dim3A_465, %add3A_471 : vector<200x1xf32>
    %transpose3A = tpu.transpose %broadcast_in_dim3A_445, [1, 0] : vector<1x200xf32> -> vector<200x1xf32>
    %mul3A_473 = arith.mulf %transpose3A, %div3A_472 : vector<200x1xf32>
    %transpose3A_474 = tpu.transpose %mul3A_473, [1, 0] : vector<200x1xf32> -> vector<1x200xf32>
    %transpose3A_475 = tpu.transpose %broadcast_in_dim3A_442, [1, 0] : vector<1x200xf32> -> vector<200x1xf32>
    %iota3A_476 = tpu.iota {dimensions = array<i32: 0>} : vector<200x200xi32>
    %iota3A_477 = tpu.iota {dimensions = array<i32: 1>} : vector<200x200xi32>
    %gt3A_478 = vector.broadcast %transpose3A_474 : vector<1x200xf32> to vector<200x200xf32>
    %gt3A_479 = vector.broadcast %mul3A_473 : vector<200x1xf32> to vector<200x200xf32>
    %gt3A_480 = arith.cmpf ogt, %gt3A_478, %gt3A_479 : vector<200x200xf32>
    %eq3A_481 = vector.broadcast %transpose3A_474 : vector<1x200xf32> to vector<200x200xf32>
    %eq3A_482 = vector.broadcast %mul3A_473 : vector<200x1xf32> to vector<200x200xf32>
    %eq3A_483 = arith.cmpf oeq, %eq3A_481, %eq3A_482 : vector<200x200xf32>
    %lt3A_484 = arith.cmpi slt, %iota3A_477, %iota3A_476 : vector<200x200xi32>
    %and3A_485 = arith.andi %eq3A_483, %lt3A_484 : vector<200x200xi1>
    %or3A_486 = arith.ori %gt3A_480, %and3A_485 : vector<200x200xi1>
    %convert_element_type3A_487 = arith.extui %or3A_486 : vector<200x200xi1> to vector<200x200xi32>
    %convert_element_type3A_488 = arith.sitofp %convert_element_type3A_487 : vector<200x200xi32> to vector<200x200xf32>
    %reduce_sum3A_489 = arith.constant dense<0.000000e+00> : vector<200xf32>
    %reduce_sum3A_490 = vector.multi_reduction <add>, %convert_element_type3A_488, %reduce_sum3A_489 [1] : vector<200x200xf32> to vector<200xf32>
    %broadcast_in_dim3A_491 = vector.shape_cast %reduce_sum3A_490 : vector<200xf32> to vector<200x1xf32>
    %transpose3A_492 = tpu.transpose %broadcast_in_dim3A_491, [1, 0] : vector<200x1xf32> -> vector<1x200xf32>
    %reduce_sum3A_493 = arith.constant dense<0.000000e+00> : vector<200xf32>
    %reduce_sum3A_494 = vector.multi_reduction <add>, %div3A_456, %reduce_sum3A_493 [1] : vector<200x4096xf32> to vector<200xf32>
    %broadcast_in_dim3A_495 = vector.shape_cast %reduce_sum3A_494 : vector<200xf32> to vector<200x1xf32>
    %dot_general3A_496 = arith.constant dense<0.000000e+00> : vector<200x200xf32>
    %dot_general3A_497 = tpu.matmul %div3A_456, %div3A_456, %dot_general3A_496 {dimension_numbers = #tpu.dot_dimension_numbers<[1], [1], [0], [0], [0, 0, 1, 0], [], []>, transpose_lhs_hint = false} : vector<200x4096xf32>, vector<200x4096xf32>, vector<200x200xf32> -> vector<200x200xf32>
    %transpose3A_498 = tpu.transpose %broadcast_in_dim3A_495, [1, 0] : vector<200x1xf32> -> vector<1x200xf32>
    %add3A_499 = vector.broadcast %broadcast_in_dim3A_495 : vector<200x1xf32> to vector<200x200xf32>
    %add3A_500 = vector.broadcast %transpose3A_498 : vector<1x200xf32> to vector<200x200xf32>
    %add3A_501 = arith.addf %add3A_499, %add3A_500 : vector<200x200xf32>
    %sub3A_502 = arith.subf %add3A_501, %dot_general3A_497 : vector<200x200xf32>
    %lt3A_503 = vector.broadcast %broadcast_in_dim3A_491 : vector<200x1xf32> to vector<200x200xf32>
    %lt3A_504 = vector.broadcast %transpose3A_492 : vector<1x200xf32> to vector<200x200xf32>
    %lt3A_505 = arith.cmpf olt, %lt3A_503, %lt3A_504 : vector<200x200xf32>
    %transpose3A_506 = tpu.transpose %transpose3A_475, [1, 0] : vector<200x1xf32> -> vector<1x200xf32>
    %eq3A_507 = vector.broadcast %transpose3A_475 : vector<200x1xf32> to vector<200x200xf32>
    %eq3A_508 = vector.broadcast %transpose3A_506 : vector<1x200xf32> to vector<200x200xf32>
    %eq3A_509 = arith.cmpf oeq, %eq3A_507, %eq3A_508 : vector<200x200xf32>
    %and3A_510 = arith.andi %lt3A_505, %eq3A_509 : vector<200x200xi1>
    %add3A_511 = arith.constant 9.99999996E-13 : f32
    %add3A_512 = vector.broadcast %add3A_511 : f32 to vector<200x200xf32>
    %add3A_513 = arith.addf %sub3A_502, %add3A_512 : vector<200x200xf32>
    %div3A_514 = arith.divf %dot_general3A_497, %add3A_513 : vector<200x200xf32>
    %jit3A_515 = arith.constant 0.000000e+00 : f32
    %broadcast_in_dim3A_516 = vector.broadcast %jit3A_515 : f32 to vector<200x200xf32>
    %select_n3A_517 = arith.select %and3A_510, %div3A_514, %broadcast_in_dim3A_516 : vector<200x200xi1>, vector<200x200xf32>
    %reduce_max3A_518 = arith.constant dense<0xFF800000> : vector<200xf32>
    %reduce_max3A_519 = vector.multi_reduction <maximumf>, %select_n3A_517, %reduce_max3A_518 [0] : vector<200x200xf32> to vector<200xf32>
    %broadcast_in_dim3A_520 = vector.shape_cast %reduce_max3A_519 : vector<200xf32> to vector<1x200xf32>
    %sub3A_521 = arith.constant 1.000000e+00 : f32
    %sub3A_522 = vector.broadcast %sub3A_521 : f32 to vector<200x200xf32>
    %sub3A_523 = arith.subf %sub3A_522, %select_n3A_517 : vector<200x200xf32>
    %transpose3A_524 = tpu.transpose %broadcast_in_dim3A_520, [1, 0] : vector<1x200xf32> -> vector<200x1xf32>
    %sub3A_525 = arith.constant 1.000000e+00 : f32
    %sub3A_526 = vector.broadcast %sub3A_525 : f32 to vector<200x1xf32>
    %sub3A_527 = arith.subf %sub3A_526, %transpose3A_524 : vector<200x1xf32>
    %div3A_528 = vector.broadcast %sub3A_527 : vector<200x1xf32> to vector<200x200xf32>
    %div3A_529 = arith.divf %sub3A_523, %div3A_528 : vector<200x200xf32>
    %reduce_min3A = arith.constant dense<0x7F800000> : vector<200xf32>
    %reduce_min3A_530 = vector.multi_reduction <minimumf>, %div3A_529, %reduce_min3A [0] : vector<200x200xf32> to vector<200xf32>
    %broadcast_in_dim3A_531 = vector.shape_cast %reduce_min3A_530 : vector<200xf32> to vector<1x200xf32>
    %transpose3A_532 = tpu.transpose %broadcast_in_dim3A_531, [1, 0] : vector<1x200xf32> -> vector<200x1xf32>
    %mul3A_533 = arith.mulf %mul3A_473, %transpose3A_532 : vector<200x1xf32>
    %get3A_534 = arith.constant 0 : index
    %get3A_535 = arith.constant 0 : index
    %get3A_536 = vector.load %arg2[%get3A_534, %get3A_535] : memref<32x4096xi32, #tpu.memory_space<vmem>>, vector<32x4096xi32>
    %convert_element_type3A_537 = arith.sitofp %get3A_536 : vector<32x4096xi32> to vector<32x4096xf32>
    %reduce_sum3A_538 = arith.constant dense<0.000000e+00> : vector<4096xf32>
    %reduce_sum3A_539 = vector.multi_reduction <add>, %convert_element_type3A_537, %reduce_sum3A_538 [0] : vector<32x4096xf32> to vector<4096xf32>
    %broadcast_in_dim3A_540 = vector.shape_cast %reduce_sum3A_539 : vector<4096xf32> to vector<1x4096xf32>
    %gt3A_541 = arith.constant 5.500000e-01 : f32
    %gt3A_542 = vector.broadcast %gt3A_541 : f32 to vector<200x4096xf32>
    %gt3A_543 = arith.cmpf ogt, %div3A_456, %gt3A_542 : vector<200x4096xf32>
    %jit3A_544 = arith.constant 1.000000e+00 : f32
    %jit3A_545 = arith.constant 0.000000e+00 : f32
    %broadcast_in_dim3A_546 = vector.broadcast %jit3A_544 : f32 to vector<200x4096xf32>
    %broadcast_in_dim3A_547 = vector.broadcast %jit3A_545 : f32 to vector<200x4096xf32>
    %select_n3A_548 = arith.select %gt3A_543, %broadcast_in_dim3A_546, %broadcast_in_dim3A_547 : vector<200x4096xi1>, vector<200x4096xf32>
    %mul3A_549 = vector.broadcast %broadcast_in_dim3A_540 : vector<1x4096xf32> to vector<200x4096xf32>
    %mul3A_550 = arith.mulf %select_n3A_548, %mul3A_549 : vector<200x4096xf32>
    %reduce_sum3A_551 = arith.constant dense<0.000000e+00> : vector<200xf32>
    %reduce_sum3A_552 = vector.multi_reduction <add>, %mul3A_550, %reduce_sum3A_551 [1] : vector<200x4096xf32> to vector<200xf32>
    %broadcast_in_dim3A_553 = vector.shape_cast %reduce_sum3A_552 : vector<200xf32> to vector<200x1xf32>
    %gt3A_554 = arith.constant 0.000000e+00 : f32
    %gt3A_555 = vector.broadcast %gt3A_554 : f32 to vector<200x1xf32>
    %gt3A_556 = arith.cmpf ogt, %mul3A_533, %gt3A_555 : vector<200x1xf32>
    %gt3A_557 = arith.constant 1.000000e+02 : f32
    %gt3A_558 = vector.broadcast %gt3A_557 : f32 to vector<200x1xf32>
    %gt3A_559 = arith.cmpf ogt, %broadcast_in_dim3A_553, %gt3A_558 : vector<200x1xf32>
    %and3A_560 = arith.andi %gt3A_556, %gt3A_559 : vector<200x1xi1>
    %jit3A_561 = arith.constant 0.000000e+00 : f32
    %broadcast_in_dim3A_562 = vector.broadcast %jit3A_561 : f32 to vector<200x1xf32>
    %select_n3A_563 = arith.select %and3A_560, %mul3A_533, %broadcast_in_dim3A_562 : vector<200x1xi1>, vector<200x1xf32>
    %transpose3A_564 = tpu.transpose %select_n3A_563, [1, 0] : vector<200x1xf32> -> vector<1x200xf32>
    %gt3A_565 = vector.broadcast %transpose3A_564 : vector<1x200xf32> to vector<200x200xf32>
    %gt3A_566 = vector.broadcast %select_n3A_563 : vector<200x1xf32> to vector<200x200xf32>
    %gt3A_567 = arith.cmpf ogt, %gt3A_565, %gt3A_566 : vector<200x200xf32>
    %eq3A_568 = vector.broadcast %transpose3A_564 : vector<1x200xf32> to vector<200x200xf32>
    %eq3A_569 = vector.broadcast %select_n3A_563 : vector<200x1xf32> to vector<200x200xf32>
    %eq3A_570 = arith.cmpf oeq, %eq3A_568, %eq3A_569 : vector<200x200xf32>
    %lt3A_571 = vector.broadcast %transpose3A_492 : vector<1x200xf32> to vector<200x200xf32>
    %lt3A_572 = vector.broadcast %broadcast_in_dim3A_491 : vector<200x1xf32> to vector<200x200xf32>
    %lt3A_573 = arith.cmpf olt, %lt3A_571, %lt3A_572 : vector<200x200xf32>
    %and3A_574 = arith.andi %eq3A_570, %lt3A_573 : vector<200x200xi1>
    %or3A_575 = arith.ori %gt3A_567, %and3A_574 : vector<200x200xi1>
    %convert_element_type3A_576 = arith.extui %or3A_575 : vector<200x200xi1> to vector<200x200xi32>
    %convert_element_type3A_577 = arith.sitofp %convert_element_type3A_576 : vector<200x200xi32> to vector<200x200xf32>
    %reduce_sum3A_578 = arith.constant dense<0.000000e+00> : vector<200xf32>
    %reduce_sum3A_579 = vector.multi_reduction <add>, %convert_element_type3A_577, %reduce_sum3A_578 [1] : vector<200x200xf32> to vector<200xf32>
    %broadcast_in_dim3A_580 = vector.shape_cast %reduce_sum3A_579 : vector<200xf32> to vector<200x1xf32>
    %transpose3A_581 = tpu.transpose %broadcast_in_dim3A_580, [1, 0] : vector<200x1xf32> -> vector<1x200xf32>
    %convert_element_type3A_582 = arith.sitofp %iota3A_476 : vector<200x200xi32> to vector<200x200xf32>
    %eq3A_583 = vector.broadcast %transpose3A_581 : vector<1x200xf32> to vector<200x200xf32>
    %eq3A_584 = arith.cmpf oeq, %eq3A_583, %convert_element_type3A_582 : vector<200x200xf32>
    %jit3A_585 = arith.constant 1.000000e+00 : f32
    %jit3A_586 = arith.constant 0.000000e+00 : f32
    %broadcast_in_dim3A_587 = vector.broadcast %jit3A_585 : f32 to vector<200x200xf32>
    %broadcast_in_dim3A_588 = vector.broadcast %jit3A_586 : f32 to vector<200x200xf32>
    %select_n3A_589 = arith.select %eq3A_584, %broadcast_in_dim3A_587, %broadcast_in_dim3A_588 : vector<200x200xi1>, vector<200x200xf32>
    %dot_general3A_590 = arith.constant dense<0.000000e+00> : vector<200x1xf32>
    %dot_general3A_591 = tpu.matmul %select_n3A_589, %select_n3A_563, %dot_general3A_590 {dimension_numbers = #tpu.dot_dimension_numbers<[1], [0], [0], [1], [0, 0, 1, 1], [], []>, precision = #tpu.contract_precision<fp32>, transpose_lhs_hint = false} : vector<200x200xf32>, vector<200x1xf32>, vector<200x1xf32> -> vector<200x1xf32>
    %swap3A = arith.constant 0 : index
    %swap3A_592 = arith.constant 0 : index
    %swap3A_593 = vector.load %arg3[%swap3A, %swap3A_592] : memref<200x1xf32, #tpu.memory_space<vmem>>, vector<200x1xf32>
    tpu.vector_store %arg3[%swap3A, %swap3A_592], %dot_general3A_591 {strides = array<i32>} : memref<200x1xf32, #tpu.memory_space<vmem>>, vector<200x1xf32>,
    %dot_general3A_594 = arith.constant dense<0.000000e+00> : vector<200x1xf32>
    %dot_general3A_595 = tpu.matmul %select_n3A_589, %transpose3A_475, %dot_general3A_594 {dimension_numbers = #tpu.dot_dimension_numbers<[1], [0], [0], [1], [0, 0, 1, 1], [], []>, transpose_lhs_hint = false} : vector<200x200xf32>, vector<200x1xf32>, vector<200x1xf32> -> vector<200x1xf32>
    %convert_element_type3A_596 = arith.fptosi %dot_general3A_595 : vector<200x1xf32> to vector<200x1xi32>
    %swap3A_597 = arith.constant 0 : index
    %swap3A_598 = arith.constant 0 : index
    %swap3A_599 = vector.load %arg4[%swap3A_597, %swap3A_598] : memref<200x1xi32, #tpu.memory_space<vmem>>, vector<200x1xi32>
    tpu.vector_store %arg4[%swap3A_597, %swap3A_598], %convert_element_type3A_596 {strides = array<i32>} : memref<200x1xi32, #tpu.memory_space<vmem>>, vector<200x1xi32>,
    %convert_element_type3A_600 = arith.extui %and3A_560 : vector<200x1xi1> to vector<200x1xi32>
    %convert_element_type3A_601 = arith.sitofp %convert_element_type3A_600 : vector<200x1xi32> to vector<200x1xf32>
    %dot_general3A_602 = arith.constant dense<0.000000e+00> : vector<200x1xf32>
    %dot_general3A_603 = tpu.matmul %select_n3A_589, %convert_element_type3A_601, %dot_general3A_602 {dimension_numbers = #tpu.dot_dimension_numbers<[1], [0], [0], [1], [0, 0, 1, 1], [], []>, transpose_lhs_hint = false} : vector<200x200xf32>, vector<200x1xf32>, vector<200x1xf32> -> vector<200x1xf32>
    %dot_general3A_604 = arith.constant dense<0.000000e+00> : vector<200x4096xf32>
    %dot_general3A_605 = tpu.matmul %select_n3A_589, %select_n3A_548, %dot_general3A_604 {dimension_numbers = #tpu.dot_dimension_numbers<[1], [0], [0], [1], [0, 0, 1, 1], [], []>, transpose_lhs_hint = false} : vector<200x200xf32>, vector<200x4096xf32>, vector<200x4096xf32> -> vector<200x4096xf32>
    %mul3A_606 = vector.broadcast %dot_general3A_603 : vector<200x1xf32> to vector<200x4096xf32>
    %mul3A_607 = arith.mulf %dot_general3A_605, %mul3A_606 : vector<200x4096xf32>
    %iota3A_608 = tpu.iota {dimensions = array<i32: 0>} : vector<16x200xi32>
    %iota3A_609 = tpu.iota {dimensions = array<i32: 1>} : vector<16x200xi32>
    %mul3A_610 = arith.constant 16 : i32
    %mul3A_611 = vector.broadcast %mul3A_610 : i32 to vector<16x200xi32>
    %mul3A_612 = arith.muli %mul3A_611, %iota3A_608 : vector<16x200xi32>
    %sub3A_613 = arith.subi %iota3A_609, %mul3A_612 : vector<16x200xi32>
    %ge3A = arith.constant 0 : i32
    %ge3A_614 = vector.broadcast %ge3A : i32 to vector<16x200xi32>
    %ge3A_615 = arith.cmpi sge, %sub3A_613, %ge3A_614 : vector<16x200xi32>
    %lt3A_616 = arith.constant 16 : i32
    %lt3A_617 = vector.broadcast %lt3A_616 : i32 to vector<16x200xi32>
    %lt3A_618 = arith.cmpi slt, %sub3A_613, %lt3A_617 : vector<16x200xi32>
    %and3A_619 = arith.andi %ge3A_615, %lt3A_618 : vector<16x200xi1>
    %jit3A_620 = arith.constant 0 : i32
    %jit3A_621 = arith.constant 15 : i32
    %max3A = vector.broadcast %jit3A_620 : i32 to vector<16x200xi32>
    %max3A_622 = arith.maxsi %max3A, %sub3A_613 : vector<16x200xi32>
    %min3A = vector.broadcast %jit3A_621 : i32 to vector<16x200xi32>
    %min3A_623 = arith.minsi %min3A, %max3A_622 : vector<16x200xi32>
    %shift_left3A = arith.constant 1 : i32
    %shift_left3A_624 = vector.broadcast %shift_left3A : i32 to vector<16x200xi32>
    %shift_left3A_625 = arith.shli %shift_left3A_624, %min3A_623 : vector<16x200xi32>
    %convert_element_type3A_626 = arith.sitofp %shift_left3A_625 : vector<16x200xi32> to vector<16x200xf32>
    %jit3A_627 = arith.constant 0.000000e+00 : f32
    %broadcast_in_dim3A_628 = vector.broadcast %jit3A_627 : f32 to vector<16x200xf32>
    %select_n3A_629 = arith.select %and3A_619, %convert_element_type3A_626, %broadcast_in_dim3A_628 : vector<16x200xi1>, vector<16x200xf32>
    %dot_general3A_630 = arith.constant dense<0.000000e+00> : vector<16x4096xf32>
    %dot_general3A_631 = tpu.matmul %select_n3A_629, %mul3A_607, %dot_general3A_630 {dimension_numbers = #tpu.dot_dimension_numbers<[1], [0], [0], [1], [0, 0, 1, 1], [], []>, transpose_lhs_hint = false} : vector<16x200xf32>, vector<200x4096xf32>, vector<16x4096xf32> -> vector<16x4096xf32>
    %convert_element_type3A_632 = arith.fptosi %dot_general3A_631 : vector<16x4096xf32> to vector<16x4096xi32>
    %slice3A_633 = vector.extract_strided_slice %convert_element_type3A_632 {offsets = [0, 0], sizes = [1, 4096], strides = [1, 1]} : vector<16x4096xi32> to vector<1x4096xi32>
    %slice3A_634 = vector.extract_strided_slice %convert_element_type3A_632 {offsets = [1, 0], sizes = [1, 4096], strides = [1, 1]} : vector<16x4096xi32> to vector<1x4096xi32>
    %shift_left3A_635 = arith.constant 16 : i32
    %shift_left3A_636 = vector.broadcast %shift_left3A_635 : i32 to vector<1x4096xi32>
    %shift_left3A_637 = arith.shli %slice3A_634, %shift_left3A_636 : vector<1x4096xi32>
    %or3A_638 = arith.ori %slice3A_633, %shift_left3A_637 : vector<1x4096xi32>
    %slice3A_639 = vector.extract_strided_slice %convert_element_type3A_632 {offsets = [2, 0], sizes = [1, 4096], strides = [1, 1]} : vector<16x4096xi32> to vector<1x4096xi32>
    %slice3A_640 = vector.extract_strided_slice %convert_element_type3A_632 {offsets = [3, 0], sizes = [1, 4096], strides = [1, 1]} : vector<16x4096xi32> to vector<1x4096xi32>
    %shift_left3A_641 = arith.constant 16 : i32
    %shift_left3A_642 = vector.broadcast %shift_left3A_641 : i32 to vector<1x4096xi32>
    %shift_left3A_643 = arith.shli %slice3A_640, %shift_left3A_642 : vector<1x4096xi32>
    %or3A_644 = arith.ori %slice3A_639, %shift_left3A_643 : vector<1x4096xi32>
    %slice3A_645 = vector.extract_strided_slice %convert_element_type3A_632 {offsets = [4, 0], sizes = [1, 4096], strides = [1, 1]} : vector<16x4096xi32> to vector<1x4096xi32>
    %slice3A_646 = vector.extract_strided_slice %convert_element_type3A_632 {offsets = [5, 0], sizes = [1, 4096], strides = [1, 1]} : vector<16x4096xi32> to vector<1x4096xi32>
    %shift_left3A_647 = arith.constant 16 : i32
    %shift_left3A_648 = vector.broadcast %shift_left3A_647 : i32 to vector<1x4096xi32>
    %shift_left3A_649 = arith.shli %slice3A_646, %shift_left3A_648 : vector<1x4096xi32>
    %or3A_650 = arith.ori %slice3A_645, %shift_left3A_649 : vector<1x4096xi32>
    %slice3A_651 = vector.extract_strided_slice %convert_element_type3A_632 {offsets = [6, 0], sizes = [1, 4096], strides = [1, 1]} : vector<16x4096xi32> to vector<1x4096xi32>
    %slice3A_652 = vector.extract_strided_slice %convert_element_type3A_632 {offsets = [7, 0], sizes = [1, 4096], strides = [1, 1]} : vector<16x4096xi32> to vector<1x4096xi32>
    %shift_left3A_653 = arith.constant 16 : i32
    %shift_left3A_654 = vector.broadcast %shift_left3A_653 : i32 to vector<1x4096xi32>
    %shift_left3A_655 = arith.shli %slice3A_652, %shift_left3A_654 : vector<1x4096xi32>
    %or3A_656 = arith.ori %slice3A_651, %shift_left3A_655 : vector<1x4096xi32>
    %slice3A_657 = vector.extract_strided_slice %convert_element_type3A_632 {offsets = [8, 0], sizes = [1, 4096], strides = [1, 1]} : vector<16x4096xi32> to vector<1x4096xi32>
    %slice3A_658 = vector.extract_strided_slice %convert_element_type3A_632 {offsets = [9, 0], sizes = [1, 4096], strides = [1, 1]} : vector<16x4096xi32> to vector<1x4096xi32>
    %shift_left3A_659 = arith.constant 16 : i32
    %shift_left3A_660 = vector.broadcast %shift_left3A_659 : i32 to vector<1x4096xi32>
    %shift_left3A_661 = arith.shli %slice3A_658, %shift_left3A_660 : vector<1x4096xi32>
    %or3A_662 = arith.ori %slice3A_657, %shift_left3A_661 : vector<1x4096xi32>
    %slice3A_663 = vector.extract_strided_slice %convert_element_type3A_632 {offsets = [10, 0], sizes = [1, 4096], strides = [1, 1]} : vector<16x4096xi32> to vector<1x4096xi32>
    %slice3A_664 = vector.extract_strided_slice %convert_element_type3A_632 {offsets = [11, 0], sizes = [1, 4096], strides = [1, 1]} : vector<16x4096xi32> to vector<1x4096xi32>
    %shift_left3A_665 = arith.constant 16 : i32
    %shift_left3A_666 = vector.broadcast %shift_left3A_665 : i32 to vector<1x4096xi32>
    %shift_left3A_667 = arith.shli %slice3A_664, %shift_left3A_666 : vector<1x4096xi32>
    %or3A_668 = arith.ori %slice3A_663, %shift_left3A_667 : vector<1x4096xi32>
    %slice3A_669 = vector.extract_strided_slice %convert_element_type3A_632 {offsets = [12, 0], sizes = [1, 4096], strides = [1, 1]} : vector<16x4096xi32> to vector<1x4096xi32>
    %slice3A_670 = vector.extract_strided_slice %convert_element_type3A_632 {offsets = [13, 0], sizes = [1, 4096], strides = [1, 1]} : vector<16x4096xi32> to vector<1x4096xi32>
    %shift_left3A_671 = arith.constant 16 : i32
    %shift_left3A_672 = vector.broadcast %shift_left3A_671 : i32 to vector<1x4096xi32>
    %shift_left3A_673 = arith.shli %slice3A_670, %shift_left3A_672 : vector<1x4096xi32>
    %or3A_674 = arith.ori %slice3A_669, %shift_left3A_673 : vector<1x4096xi32>
    %concatenate3A = tpu.concatenate %or3A_638, %or3A_644, %or3A_650, %or3A_656, %or3A_662, %or3A_668, %or3A_674 in 0 : vector<1x4096xi32>, vector<1x4096xi32>, vector<1x4096xi32>, vector<1x4096xi32>, vector<1x4096xi32>, vector<1x4096xi32>, vector<1x4096xi32> -> vector<7x4096xi32>
    %swap3A_675 = arith.constant 0 : index
    %swap3A_676 = arith.constant 0 : index
    %swap3A_677 = vector.load %arg5[%swap3A_675, %swap3A_676] : memref<7x4096xi32, #tpu.memory_space<vmem>>, vector<7x4096xi32>
    tpu.vector_store %arg5[%swap3A_675, %swap3A_676], %concatenate3A {strides = array<i32>} : memref<7x4096xi32, #tpu.memory_space<vmem>>, vector<7x4096xi32>,
    return
  }
}

module attributes {stable_mosaic.version = 14 : i64} {
  func.func @_unpack_body(%arg0: i32, %arg1: memref<7x12800xi32, #tpu.memory_space<vmem>>, %arg2: memref<200x12800xi32, #tpu.memory_space<vmem>>) attributes {dimension_semantics = [#tpu.dimension_semantics<arbitrary>], iteration_bounds = array<i64: 8>, scalar_prefetch = 0 : i64, scratch_operands = 0 : i64, tpu.core_type = #tpu.core_type<tc>, window_params = [{transform_indices = @transform_0, window_bounds = array<i64: 7, 12800>}, {transform_indices = @transform_1, window_bounds = array<i64: 200, 12800>}]} {
    %get3A = arith.constant 0 : index
    %get3A_0 = arith.constant 0 : index
    %get3A_1 = vector.load %arg1[%get3A, %get3A_0] : memref<7x12800xi32, #tpu.memory_space<vmem>>, vector<7x12800xi32>
    %iota3A = tpu.iota {dimensions = array<i32: 0>} : vector<32x1xi32>
    %slice3A = vector.extract_strided_slice %get3A_1 {offsets = [0, 0], sizes = [1, 12800], strides = [1, 1]} : vector<7x12800xi32> to vector<1x12800xi32>
    %broadcast_in_dim3A = vector.shape_cast %slice3A : vector<1x12800xi32> to vector<1x12800xi32>
    %broadcast_in_dim3A_2 = vector.broadcast %broadcast_in_dim3A : vector<1x12800xi32> to vector<32x12800xi32>
    %shift_right_arithmetic3A = vector.broadcast %iota3A : vector<32x1xi32> to vector<32x12800xi32>
    %shift_right_arithmetic3A_3 = arith.shrsi %broadcast_in_dim3A_2, %shift_right_arithmetic3A : vector<32x12800xi32>
    %and3A = arith.constant 1 : i32
    %and3A_4 = vector.broadcast %and3A : i32 to vector<32x12800xi32>
    %and3A_5 = arith.andi %shift_right_arithmetic3A_3, %and3A_4 : vector<32x12800xi32>
    %ne3A = arith.constant 0 : i32
    %ne3A_6 = vector.broadcast %ne3A : i32 to vector<32x12800xi32>
    %ne3A_7 = arith.cmpi ne, %and3A_5, %ne3A_6 : vector<32x12800xi32>
    %swap3A = arith.constant 0 : index
    %swap3A_8 = arith.constant 0 : index
    %swap3A_9 = vector.load %arg2[%swap3A, %swap3A_8] : memref<200x12800xi32, #tpu.memory_space<vmem>>, vector<32x12800xi32>
    %swap3A_10 = arith.extui %ne3A_7 : vector<32x12800xi1> to vector<32x12800xi32>
    %swap3A_11 = arith.constant dense<0> : vector<32x12800xi32>
    %swap3A_12 = arith.cmpi ne, %swap3A_9, %swap3A_11 : vector<32x12800xi32>
    tpu.vector_store %arg2[%swap3A, %swap3A_8], %swap3A_10 {strides = array<i32>} : memref<200x12800xi32, #tpu.memory_space<vmem>>, vector<32x12800xi32>,
    %slice3A_13 = vector.extract_strided_slice %get3A_1 {offsets = [1, 0], sizes = [1, 12800], strides = [1, 1]} : vector<7x12800xi32> to vector<1x12800xi32>
    %broadcast_in_dim3A_14 = vector.shape_cast %slice3A_13 : vector<1x12800xi32> to vector<1x12800xi32>
    %broadcast_in_dim3A_15 = vector.broadcast %broadcast_in_dim3A_14 : vector<1x12800xi32> to vector<32x12800xi32>
    %shift_right_arithmetic3A_16 = vector.broadcast %iota3A : vector<32x1xi32> to vector<32x12800xi32>
    %shift_right_arithmetic3A_17 = arith.shrsi %broadcast_in_dim3A_15, %shift_right_arithmetic3A_16 : vector<32x12800xi32>
    %and3A_18 = arith.constant 1 : i32
    %and3A_19 = vector.broadcast %and3A_18 : i32 to vector<32x12800xi32>
    %and3A_20 = arith.andi %shift_right_arithmetic3A_17, %and3A_19 : vector<32x12800xi32>
    %ne3A_21 = arith.constant 0 : i32
    %ne3A_22 = vector.broadcast %ne3A_21 : i32 to vector<32x12800xi32>
    %ne3A_23 = arith.cmpi ne, %and3A_20, %ne3A_22 : vector<32x12800xi32>
    %swap3A_24 = arith.constant 32 : index
    %swap3A_25 = arith.constant 0 : index
    %swap3A_26 = vector.load %arg2[%swap3A_24, %swap3A_25] : memref<200x12800xi32, #tpu.memory_space<vmem>>, vector<32x12800xi32>
    %swap3A_27 = arith.extui %ne3A_23 : vector<32x12800xi1> to vector<32x12800xi32>
    %swap3A_28 = arith.constant dense<0> : vector<32x12800xi32>
    %swap3A_29 = arith.cmpi ne, %swap3A_26, %swap3A_28 : vector<32x12800xi32>
    tpu.vector_store %arg2[%swap3A_24, %swap3A_25], %swap3A_27 {strides = array<i32>} : memref<200x12800xi32, #tpu.memory_space<vmem>>, vector<32x12800xi32>,
    %slice3A_30 = vector.extract_strided_slice %get3A_1 {offsets = [2, 0], sizes = [1, 12800], strides = [1, 1]} : vector<7x12800xi32> to vector<1x12800xi32>
    %broadcast_in_dim3A_31 = vector.shape_cast %slice3A_30 : vector<1x12800xi32> to vector<1x12800xi32>
    %broadcast_in_dim3A_32 = vector.broadcast %broadcast_in_dim3A_31 : vector<1x12800xi32> to vector<32x12800xi32>
    %shift_right_arithmetic3A_33 = vector.broadcast %iota3A : vector<32x1xi32> to vector<32x12800xi32>
    %shift_right_arithmetic3A_34 = arith.shrsi %broadcast_in_dim3A_32, %shift_right_arithmetic3A_33 : vector<32x12800xi32>
    %and3A_35 = arith.constant 1 : i32
    %and3A_36 = vector.broadcast %and3A_35 : i32 to vector<32x12800xi32>
    %and3A_37 = arith.andi %shift_right_arithmetic3A_34, %and3A_36 : vector<32x12800xi32>
    %ne3A_38 = arith.constant 0 : i32
    %ne3A_39 = vector.broadcast %ne3A_38 : i32 to vector<32x12800xi32>
    %ne3A_40 = arith.cmpi ne, %and3A_37, %ne3A_39 : vector<32x12800xi32>
    %swap3A_41 = arith.constant 64 : index
    %swap3A_42 = arith.constant 0 : index
    %swap3A_43 = vector.load %arg2[%swap3A_41, %swap3A_42] : memref<200x12800xi32, #tpu.memory_space<vmem>>, vector<32x12800xi32>
    %swap3A_44 = arith.extui %ne3A_40 : vector<32x12800xi1> to vector<32x12800xi32>
    %swap3A_45 = arith.constant dense<0> : vector<32x12800xi32>
    %swap3A_46 = arith.cmpi ne, %swap3A_43, %swap3A_45 : vector<32x12800xi32>
    tpu.vector_store %arg2[%swap3A_41, %swap3A_42], %swap3A_44 {strides = array<i32>} : memref<200x12800xi32, #tpu.memory_space<vmem>>, vector<32x12800xi32>,
    %slice3A_47 = vector.extract_strided_slice %get3A_1 {offsets = [3, 0], sizes = [1, 12800], strides = [1, 1]} : vector<7x12800xi32> to vector<1x12800xi32>
    %broadcast_in_dim3A_48 = vector.shape_cast %slice3A_47 : vector<1x12800xi32> to vector<1x12800xi32>
    %broadcast_in_dim3A_49 = vector.broadcast %broadcast_in_dim3A_48 : vector<1x12800xi32> to vector<32x12800xi32>
    %shift_right_arithmetic3A_50 = vector.broadcast %iota3A : vector<32x1xi32> to vector<32x12800xi32>
    %shift_right_arithmetic3A_51 = arith.shrsi %broadcast_in_dim3A_49, %shift_right_arithmetic3A_50 : vector<32x12800xi32>
    %and3A_52 = arith.constant 1 : i32
    %and3A_53 = vector.broadcast %and3A_52 : i32 to vector<32x12800xi32>
    %and3A_54 = arith.andi %shift_right_arithmetic3A_51, %and3A_53 : vector<32x12800xi32>
    %ne3A_55 = arith.constant 0 : i32
    %ne3A_56 = vector.broadcast %ne3A_55 : i32 to vector<32x12800xi32>
    %ne3A_57 = arith.cmpi ne, %and3A_54, %ne3A_56 : vector<32x12800xi32>
    %swap3A_58 = arith.constant 96 : index
    %swap3A_59 = arith.constant 0 : index
    %swap3A_60 = vector.load %arg2[%swap3A_58, %swap3A_59] : memref<200x12800xi32, #tpu.memory_space<vmem>>, vector<32x12800xi32>
    %swap3A_61 = arith.extui %ne3A_57 : vector<32x12800xi1> to vector<32x12800xi32>
    %swap3A_62 = arith.constant dense<0> : vector<32x12800xi32>
    %swap3A_63 = arith.cmpi ne, %swap3A_60, %swap3A_62 : vector<32x12800xi32>
    tpu.vector_store %arg2[%swap3A_58, %swap3A_59], %swap3A_61 {strides = array<i32>} : memref<200x12800xi32, #tpu.memory_space<vmem>>, vector<32x12800xi32>,
    %slice3A_64 = vector.extract_strided_slice %get3A_1 {offsets = [4, 0], sizes = [1, 12800], strides = [1, 1]} : vector<7x12800xi32> to vector<1x12800xi32>
    %broadcast_in_dim3A_65 = vector.shape_cast %slice3A_64 : vector<1x12800xi32> to vector<1x12800xi32>
    %broadcast_in_dim3A_66 = vector.broadcast %broadcast_in_dim3A_65 : vector<1x12800xi32> to vector<32x12800xi32>
    %shift_right_arithmetic3A_67 = vector.broadcast %iota3A : vector<32x1xi32> to vector<32x12800xi32>
    %shift_right_arithmetic3A_68 = arith.shrsi %broadcast_in_dim3A_66, %shift_right_arithmetic3A_67 : vector<32x12800xi32>
    %and3A_69 = arith.constant 1 : i32
    %and3A_70 = vector.broadcast %and3A_69 : i32 to vector<32x12800xi32>
    %and3A_71 = arith.andi %shift_right_arithmetic3A_68, %and3A_70 : vector<32x12800xi32>
    %ne3A_72 = arith.constant 0 : i32
    %ne3A_73 = vector.broadcast %ne3A_72 : i32 to vector<32x12800xi32>
    %ne3A_74 = arith.cmpi ne, %and3A_71, %ne3A_73 : vector<32x12800xi32>
    %swap3A_75 = arith.constant 128 : index
    %swap3A_76 = arith.constant 0 : index
    %swap3A_77 = vector.load %arg2[%swap3A_75, %swap3A_76] : memref<200x12800xi32, #tpu.memory_space<vmem>>, vector<32x12800xi32>
    %swap3A_78 = arith.extui %ne3A_74 : vector<32x12800xi1> to vector<32x12800xi32>
    %swap3A_79 = arith.constant dense<0> : vector<32x12800xi32>
    %swap3A_80 = arith.cmpi ne, %swap3A_77, %swap3A_79 : vector<32x12800xi32>
    tpu.vector_store %arg2[%swap3A_75, %swap3A_76], %swap3A_78 {strides = array<i32>} : memref<200x12800xi32, #tpu.memory_space<vmem>>, vector<32x12800xi32>,
    %slice3A_81 = vector.extract_strided_slice %get3A_1 {offsets = [5, 0], sizes = [1, 12800], strides = [1, 1]} : vector<7x12800xi32> to vector<1x12800xi32>
    %broadcast_in_dim3A_82 = vector.shape_cast %slice3A_81 : vector<1x12800xi32> to vector<1x12800xi32>
    %broadcast_in_dim3A_83 = vector.broadcast %broadcast_in_dim3A_82 : vector<1x12800xi32> to vector<32x12800xi32>
    %shift_right_arithmetic3A_84 = vector.broadcast %iota3A : vector<32x1xi32> to vector<32x12800xi32>
    %shift_right_arithmetic3A_85 = arith.shrsi %broadcast_in_dim3A_83, %shift_right_arithmetic3A_84 : vector<32x12800xi32>
    %and3A_86 = arith.constant 1 : i32
    %and3A_87 = vector.broadcast %and3A_86 : i32 to vector<32x12800xi32>
    %and3A_88 = arith.andi %shift_right_arithmetic3A_85, %and3A_87 : vector<32x12800xi32>
    %ne3A_89 = arith.constant 0 : i32
    %ne3A_90 = vector.broadcast %ne3A_89 : i32 to vector<32x12800xi32>
    %ne3A_91 = arith.cmpi ne, %and3A_88, %ne3A_90 : vector<32x12800xi32>
    %swap3A_92 = arith.constant 160 : index
    %swap3A_93 = arith.constant 0 : index
    %swap3A_94 = vector.load %arg2[%swap3A_92, %swap3A_93] : memref<200x12800xi32, #tpu.memory_space<vmem>>, vector<32x12800xi32>
    %swap3A_95 = arith.extui %ne3A_91 : vector<32x12800xi1> to vector<32x12800xi32>
    %swap3A_96 = arith.constant dense<0> : vector<32x12800xi32>
    %swap3A_97 = arith.cmpi ne, %swap3A_94, %swap3A_96 : vector<32x12800xi32>
    tpu.vector_store %arg2[%swap3A_92, %swap3A_93], %swap3A_95 {strides = array<i32>} : memref<200x12800xi32, #tpu.memory_space<vmem>>, vector<32x12800xi32>,
    %slice3A_98 = vector.extract_strided_slice %get3A_1 {offsets = [6, 0], sizes = [1, 12800], strides = [1, 1]} : vector<7x12800xi32> to vector<1x12800xi32>
    %broadcast_in_dim3A_99 = vector.shape_cast %slice3A_98 : vector<1x12800xi32> to vector<1x12800xi32>
    %broadcast_in_dim3A_100 = vector.broadcast %broadcast_in_dim3A_99 : vector<1x12800xi32> to vector<32x12800xi32>
    %shift_right_arithmetic3A_101 = vector.broadcast %iota3A : vector<32x1xi32> to vector<32x12800xi32>
    %shift_right_arithmetic3A_102 = arith.shrsi %broadcast_in_dim3A_100, %shift_right_arithmetic3A_101 : vector<32x12800xi32>
    %and3A_103 = arith.constant 1 : i32
    %and3A_104 = vector.broadcast %and3A_103 : i32 to vector<32x12800xi32>
    %and3A_105 = arith.andi %shift_right_arithmetic3A_102, %and3A_104 : vector<32x12800xi32>
    %slice3A_106 = vector.extract_strided_slice %and3A_105 {offsets = [0, 0], sizes = [8, 12800], strides = [1, 1]} : vector<32x12800xi32> to vector<8x12800xi32>
    %ne3A_107 = arith.constant 0 : i32
    %ne3A_108 = vector.broadcast %ne3A_107 : i32 to vector<8x12800xi32>
    %ne3A_109 = arith.cmpi ne, %slice3A_106, %ne3A_108 : vector<8x12800xi32>
    %swap3A_110 = arith.constant 192 : index
    %swap3A_111 = arith.constant 0 : index
    %swap3A_112 = vector.load %arg2[%swap3A_110, %swap3A_111] : memref<200x12800xi32, #tpu.memory_space<vmem>>, vector<8x12800xi32>
    %swap3A_113 = arith.extui %ne3A_109 : vector<8x12800xi1> to vector<8x12800xi32>
    %swap3A_114 = arith.constant dense<0> : vector<8x12800xi32>
    %swap3A_115 = arith.cmpi ne, %swap3A_112, %swap3A_114 : vector<8x12800xi32>
    tpu.vector_store %arg2[%swap3A_110, %swap3A_111], %swap3A_113 {strides = array<i32>} : memref<200x12800xi32, #tpu.memory_space<vmem>>, vector<8x12800xi32>,
    return
  }
  func.func @transform_0(%arg0: i32) -> (i32, i32) {
    %c0_i32 = arith.constant 0 : i32
    %c0_i32_0 = arith.constant 0 : i32
    return %c0_i32, %arg0 : i32, i32
  }
  func.func @transform_1(%arg0: i32) -> (i32, i32) {
    %c0_i32 = arith.constant 0 : i32
    %c0_i32_0 = arith.constant 0 : i32
    return %c0_i32, %arg0 : i32, i32
  }
}

</mosaic_0001>

<sc_bundles>
// kernel: kernel.6.cloned.1.call-start
scs
__scs_entry_jumppad:
0x0: {  	(pc) =	sbr.rel $0x88, $3  }
0x1: {  	(tag) =	ssettag $0x0;
	lr =	simm.s32 $0x1  }
0x2: {  	[smem:$0x3F9E] =	sst lr;
	_ =	strace $0xD0000000  }
0x3: {  	_ = 	snop  }
0x4: {  	_ = 	snop  }
0x5: {  	_ = 	snop  }
0x6: {  	_ = 	snop  }
0x7: {  	_ = 	snop  }
__scs_overlays_trampoline_lowered:
0x8: {  	[smem:$0x3FAD] =	sst s0  }
0x9: {  	[smem:$0x3FAE] =	sst s1  }
0xa: {  	[smem:$0x3FAF] =	sst s2  }
0xb: {  	[smem:$0x3FB0] =	sst s3  }
0xc: {  	[smem:$0x3FB1] =	sst s4  }
0xd: {  	[smem:$0x3FB2] =	sst s5  }
0xe: {  	[smem:$0x3FB3] =	sst s6  }
0xf: {  	[smem:$0x3FB4] =	sst s7  }
0x10: {  	[smem:$0x3FB5] =	sst s8  }
0x11: {  	[smem:$0x3FB6] =	sst s9;
	s0 =	simm.s32 @!p0 $0x0  }
0x12: {  	s1 =	sld [smem:$0x3F9C];
	s0 =	simm.s32 @p0 $0x1  }
0x13: {  	[smem:$0x3FB7] =	sst s0;
	s0 =	simm.s32 @!p1 $0x0  }
0x14: {  	s2 =	sld [smem:$0x3F9B];
	s0 =	simm.s32 @p1 $0x1  }
0x15: {  	[smem:$0x3FB8] =	sst s0;
	s0 =	simm.s32 @!p2 $0x0  }
0x16: {  	s3 =	sld [smem:$0x3FDB];
	s0 =	simm.s32 @p2 $0x1  }
0x17: {  	s4 =	simm.s32 $0x1BF5;
	[smem:$0x3FBA] =	sst s0  }
0x18: {  	s0 =	sld [smem:$0x3F9D];
	_ =	swait.ge [sflag:s4], $0x0  }
0x19: {  	s7 =	sld [smem:$0x3F9E]  }
0x1a: {  	s8 =	sadd.s32 $0xFFFFE003, lr  }
0x1b: {  	s9 =	sadd.s32 $0xFFFFFEF7, lr;
	s5 =	simm.s32 $0xFFFFFFFF;
	p2 =	slt.u32 s8, $0xFFFFF086  }
0x1c: {  	p1 =	slt.u32 s9, $0xF7A;
	s5 =	simm.s32 @!p2 $0x0  }
0x1d: {  	s5 =	simm.s32 @p1 $0x1;
	p0 =	seq.s32 s7, s2  }
0x1e: {  	s7 =	smul.u32 @!p0 $0xF7A, s2;
	p2 =	seq.s32 @!p0 s5, $0x0  }
0x1f: {  	s9 =	smul.u32 $0xF7A, s1;
	s8 =	simm.s32 @!p0 $0x1BF5;
	p2 =	por !p2, p0  }
0x20: {  	[sflag:s8] =	ssyncset.s32 @!p0 $0xFFFFF086;
	s6 =	sadd.s32 @!p0 s3, s7;
	s7 =	simm.s32 @!p0 $0x108  }
0x21: {  	s3 =	sadd.s32 s3, s9;
	s6 =	sadd.s32 @!p0 $0x88, s6;
	s7 =	simm.s32 @p2 $0x1082  }
0x22: {  	[simem:s7], [sflag:s8] =	dma.local @!p0 [hbm:s6], $0xF7A  }
0x23: {  	s9 =	sor.u32 $0xD0000000, s2;
	s6 =	simm.s32 $0x108;
	_ =	swait.ge @!p0 [sflag:s8], $0x0  }
0x24: {  	s3 =	sadd.s32 $0x88, s3;
	s6 =	simm.s32 @!p1 $0x1082;
	[sflag:s4] =	ssyncset.s32 $0xFFFFF086  }
0x25: {  	[simem:s6], [sflag:s4] =	dma.local [hbm:s3], $0xF7A  }
0x26: {  	[smem:$0x3F9E] =	sst s1;
	(tag) =	ssettag s2;
	_ =	strace s9  }
0x27: {  	s1 =	sld [smem:$0x3FAE]  }
0x28: {  	s2 =	sld [smem:$0x3FAF]  }
0x29: {  	s4 =	sld [smem:$0x3FB1]  }
0x2a: {  	p0 =	seq.s32 s5, $0x0;
	s5 =	sld [smem:$0x3FB2]  }
0x2b: {  	s6 =	sld [smem:$0x3FB3]  }
0x2c: {  	s7 =	sld [smem:$0x3FB4]  }
0x2d: {  	s3 =	simm.s32 $0x108;
	s8 =	sld [smem:$0x3FB5]  }
0x2e: {  	s3 =	simm.s32 @!p0 $0x1082;
	s9 =	sld [smem:$0x3FB6]  }
0x2f: {  	lr =	sadd.s32 s0, s3;
	s0 =	sld [smem:$0x3FAD]  }
0x30: {  	s3 =	sld [smem:$0x3FB0]  }
0x31: {  	[smem:$0x3FB9] =	sst s10  }
0x32: {  	s10 =	sld [smem:$0x3FB7];
	_ =	sdelay $0x3  }
0x33: {  	p0 =	seq.s32 s10, $0x1;
	s10 =	sld [smem:$0x3FB9];
	_ =	sdelay $0x3  }
0x34: {  	[smem:$0x3FB9] =	sst s10  }
0x35: {  	s10 =	sld [smem:$0x3FB8];
	_ =	sdelay $0x3  }
0x36: {  	p1 =	seq.s32 s10, $0x1;
	s10 =	sld [smem:$0x3FB9];
	_ =	sdelay $0x3  }
0x37: {  	[smem:$0x3FB9] =	sst s10  }
0x38: {  	s10 =	sld [smem:$0x3FBA]  }
0x39: {  	_ = 	snop;
	(pc) =	sbr.ind lr, $3  }
0x3a: {  	_ = 	snop  }
0x3b: {  	_ = 	snop  }
0x3c: {  	p2 =	seq.s32 s10, $0x1;
	s10 =	sld [smem:$0x3FB9]  }
0x3d: {  	_ =	shalt  }
0x3e: {  	_ =	shalt  }
0x3f: {  	_ =	shalt  }
0x40: {  	_ =	shalt  }
0x41: {  	_ =	shalt  }
0x42: {  	_ =	shalt  }
0x43: {  	_ =	shalt  }
0x44: {  	_ =	shalt  }
0x45: {  	_ =	shalt  }
0x46: {  	_ =	shalt  }
0x47: {  	_ =	shalt  }
0x48: {  	_ =	shalt  }
0x49: {  	_ =	shalt  }
0x4a: {  	_ =	shalt  }
0x4b: {  	_ =	shalt  }
0x4c: {  	_ =	shalt  }
0x4d: {  	_ =	shalt  }
0x4e: {  	_ =	shalt  }
0x4f: {  	_ =	shalt  }
0x50: {  	_ =	shalt  }
0x51: {  	_ =	shalt  }
0x52: {  	_ =	shalt  }
0x53: {  	_ =	shalt  }
0x54: {  	_ =	shalt  }
0x55: {  	_ =	shalt  }
0x56: {  	_ =	shalt  }
0x57: {  	_ =	shalt  }
0x58: {  	_ =	shalt  }
0x59: {  	_ =	shalt  }
0x5a: {  	_ =	shalt  }
0x5b: {  	_ =	shalt  }
0x5c: {  	_ =	shalt  }
0x5d: {  	_ =	shalt  }
0x5e: {  	_ =	shalt  }
0x5f: {  	_ =	shalt  }
0x60: {  	_ =	shalt  }
0x61: {  	_ =	shalt  }
0x62: {  	_ =	shalt  }
0x63: {  	_ =	shalt  }
0x64: {  	_ =	shalt  }
0x65: {  	_ =	shalt  }
0x66: {  	_ =	shalt  }
0x67: {  	_ =	shalt  }
0x68: {  	_ =	shalt  }
0x69: {  	_ =	shalt  }
0x6a: {  	_ =	shalt  }
0x6b: {  	_ =	shalt  }
0x6c: {  	_ =	shalt  }
0x6d: {  	_ =	shalt  }
0x6e: {  	_ =	shalt  }
0x6f: {  	_ =	shalt  }
0x70: {  	_ =	shalt  }
0x71: {  	_ =	shalt  }
0x72: {  	_ =	shalt  }
0x73: {  	_ =	shalt  }
0x74: {  	_ =	shalt  }
0x75: {  	_ =	shalt  }
0x76: {  	_ =	shalt  }
0x77: {  	_ =	shalt  }
0x78: {  	_ =	shalt  }
0x79: {  	_ =	shalt  }
0x7a: {  	_ =	shalt  }
0x7b: {  	_ =	shalt  }
0x7c: {  	_ =	shalt  }
0x7d: {  	_ =	shalt  }
0x7e: {  	_ =	shalt  }
0x7f: {  	_ =	shalt  }
0x80: {  	_ =	shalt  }
0x81: {  	_ =	shalt  }
0x82: {  	_ =	shalt  }
0x83: {  	_ =	shalt  }
0x84: {  	_ =	shalt  }
0x85: {  	_ =	shalt  }
0x86: {  	_ =	shalt  }
0x87: {  	_ =	shalt  }
.Lfunc_end0:
.L_simem_size_0:
called_computation_lowered:
.L_overlay_start_0:
0x88: {  	s2 =	sld [smem:$0x3FD9]  }
0x89: {  	s3 =	sld [smem:$0x3FFE];
	_ =	sdelay $0x1  }
0x8a: {  	s1 =	srdreg.scid  }
0x8b: {  	s0 =	sand.u32 $0x1, s1  }
0x8c: {  	s15 =	sshll.u32 s0, $0xA;
	s2 =	sadd.s32 s3, s2  }
0x8d: {  	s2 =	sadd.s32 s2, s15  }
0x8e: {  	[smem:$0x3FC5] =	sst s2  }
0x8f: {  	_ = 	snop  }
0x90: {  	s2 =	sld [smem:$0x3FD0];
	_ =	sdelay $0x2  }
0x91: {  	s4 =	simm.s32 $0xA;
	s5 =	simm.s32 $0x10;
	s16 =	sld [smem:$0x3FC7]  }
0x92: {  	[smem:s5], [sflag:s4] =	dma.local [hbm:s2], $0x1  }
0x93: {  	_ =	swait.eq [sflag:s4], $0x1  }
0x94: {  	[sflag:s4] =	ssyncset.done $0x0  }
0x95: {  	[sflag:s4] =	ssyncadd.s32 $0xFFFFFFFF  }
0x96: {  	s17 =	sld [smem:$0x11];
	(tm) =	ssettm $0x1  }
0x97: {  	s18 =	sld [smem:$0x3FFB];
	_ =	sdelay $0x3  }
0x98: {  	_ =	strace s18  }
0x99: {  	s4 =	sld [smem:$0x3FFC];
	_ =	sdelay $0x3  }
0x9a: {  	_ =	strace s4  }
0x9b: {  	s4 =	sld [smem:$0x3FFD];
	_ =	sdelay $0x3  }
0x9c: {  	_ =	strace s4  }
0x9d: {  	_ =	strace $0x8FFFFFFF  }
0x9e: {  	s19 =	sld [smem:$0x3FDB];
	_ =	sdelay $0x1  }
0x9f: {  	s20 =	simm.s32 $_scs_section_size  }
0xa0: {  	s6 =	simm.s32 $_size__tile_overlayer_lowered;
	s7 =	simm.s32 $_tile_overlayer_lowered  }
0xa1: {  	s23 =	simm.s32 $0x1BFF;
	s22 =	sshll.u32 s7, $0x1;
	s4 =	sadd.s32 s20, s19  }
0xa2: {  	s8 =	simm.s32 $0x0;
	s21 =	sshll.u32 s6, $0x1;
	s6 =	sadd.s32 s22, s4  }
0xa3: {  	[timem:s8], [sflag:s23] =	dma.local [hbm:s6], s21  }
0xa4: {  	_ =	swait.ge [sflag:s23], s21  }
0xa5: {  	s5 =	ssub.s32 $0x0, s21;
	[sflag:s23] =	ssyncset.done $0x0  }
0xa6: {  	[sflag:s23] =	ssyncadd.s32 s5;
	_ =	sdelay $0x1  }
0xa7: {  	s24 =	simm.s32 $0x1B8B  }
0xa8: {  	_ =	swait.ge [sflag:s24], $0x1  }
0xa9: {  	[sflag:s24] =	ssyncset.done $0x0  }
0xaa: {  	s25 =	simm.s32 $0x1B8E;
	[sflag:s24] =	ssyncadd.s32 $0xFFFFFFFF  }
0xab: {  	s26 =	simm.s32 $execute0_lowered;
	[smem:$0x3FD2] =	sst s25  }
0xac: {  	s5 =	sshll.u32 s26, $0x1;
	_ =	strace $0x80000046;
	[dreg:$0x1] =	wrdreg $0xFFFFFFFF  }
0xad: {  	s28 =	simm.s32 $_size_execute0_lowered;
	s4 =	sadd.s32 s4, s5;
	[dreg:$0x0] =	wrdreg $0x0  }
0xae: {  	s5 =	sshll.u32 s28, $0x1;
	[dreg:$0x2] =	wrdreg s4  }
0xaf: {  	[dreg:$0x3] =	wrdreg s5  }
0xb0: {  	[dreg:$0x4] =	wrdreg $0xC0  }
0xb1: {  	_ =	task [dreg:s8], $0x5FFFF  }
0xb2: {  	[dreg:$0x1] =	wrdreg $0xFFFFFFFF  }
0xb3: {  	[dreg:$0x0] =	wrdreg $0x60  }
0xb4: {  	[dreg:$0x2] =	wrdreg s16  }
0xb5: {  	[dreg:$0x3] =	wrdreg s17  }
0xb6: {  	[dreg:$0x4] =	wrdreg $0x9  }
0xb7: {  	_ =	task.clear_ibuf [dreg:s8], $0x5FFFF;
	_ =	strace $0x90000046  }
0xb8: {  	s29 =	simm.s32 $0x9;
	_ =	strace $0x80000048  }
0xb9: {  	_ =	swait.ge [sflag:s29], $0x1  }
0xba: {  	[sflag:s29] =	ssyncadd.s32 $0xFFFFFFFF  }
0xbb: {  	_ =	strace $0x90000048  }
0xbc: {  	_ =	sfence  }
0xbd: {  	s30 =	sld [smem:$0x0];
	_ =	sdelay $0x2  }
0xbe: {  	s31 =	sshll.u32 s1, $0xD;
	s1 =	sshrl.u32 s1, $0x2  }
0xbf: {  	s3 =	sand.u32 $0x4000, s31;
	s1 =	sadd.s32 s1, s30  }
0xc0: {  	s0 =	sor.u32 s3, s0;
	s1 =	sshll.u32 s1, $0x11  }
0xc1: {  	s0 =	sor.u32 s1, s0  }
0xc2: {  	s0 =	sadd.s32 $0x8F2B, s0  }
0xc3: {  	[sflag:s0] =	ssyncadd.remote.s32 $0x1  }
0xc4: {  	_ =	sfence.sel $0xFFFF  }
0xc5: {  	[dreg:$0x0] =	wrdreg $0xFFFFFFFF;
	(pc) =	sbr.abs _section_cstart, $3  }
0xc6: {  	[dreg:$0x1] =	wrdreg $0xFFFFFFFF  }
0xc7: {  	_ =	task.clear_ibuf [dreg:s8], $0x2FFFF;
	_ =	strace $0x9FFFFFFF  }
0xc8: {  	(tm) =	ssettm $0x7FFFFFFF  }
0xc9: {  	_ =	shalt  }
tec
execute0_lowered:
.L_overlay_start_1:
0x0: {  	(tag) =	ssettag $0x1  }
0x1: {  	s1 =	srdreg.scid;
	s0 =	stileid.u32  }
0x2: {  	s4 =	rddreg [dreg:$0x0];
	s3 =	sand.u32 $0x1, s1;
	s30 =	sshll.u32 s0, $0x1  }
0x3: {  	s6 =	rddreg [dreg:$0x1];
	s5 =	sor.u32 s3, s30  }
0x4: {  	s2 =	simm.s32 $0x0;
	s1 =	rddreg [dreg:$0x2];
	s7 =	smul.u32 $0xC80, s5  }
0x5: {  	[smem:$0x7FF] =	sst s2;
	s3 =	ssub.s32 $0x2, s3  }
0x6: {  	_ =	strace $0x80000047;
	s8 =	sshrl.u32 s3, $0x1;
	s7 =	smin.u32 s7, $0x17A20  }
0x7: {  	p0 =	seq.s32 s5, $0x1F;
	s31 =	sshll.u32 s5, $0x9;
	s7 =	sshrl.u32 s7, $0x3  }
0x8: {  	s8 =	ssub.s32 s3, s8;
	s3 =	sadd.s32 s4, s7;
	s7 =	simm.s32 $0x960  }
0x9: {  	s5 =	smax.u32 s8, $0x1;
	s8 =	simm.s32 $0x0;
	s7 =	simm.s32 @!p0 $0x0  }
0xa: {  	v1 =	vimm.s32 $0x0;
	v2 =	vlaneseq.u32;
	s4 =	sadd.s32 s6, s31;
	s6 =	simm.s32 $0x1;
	v0 =	vmov s7;
	s7 =	simm.s32 $0xC80  }
.LBB2_1:
0xb: {  	[tilespmem:s2], [sflag:$0x1] =	stream.linear.gather [hbm4b:s3+s2], $0xC80, $0x38;
	[tilespmem:$0x1C80] =	vst v63  }
0xc: {  	_ =	swait.ge [sflag:s6], $0xC80  }
0xd: {  	[sflag:s6] =	ssyncset.done $0x0  }
0xe: {  	s9 =	simm.s32 $0x0;
	[sflag:s6] =	ssyncadd.s32 $0xFFFFF380  }
.LBB2_2:
0xf: {  	p0 =	sne.s32 s9, $0x3FC0  }
.Ltmp0:
0x10: {  	_ = 	snop;
	(pc) =	sbr.rel @p0 .LBB2_2-.Ltmp0, $3  }
0x11: {  	_ =	sdelay $0x1  }
0x12: {  	s10 =	sshra.s32 s9, $0x2  }
0x13: {  	s9 =	sadd.s32 $0x40, s9;
	[tilespmem:s10+$0xC80] =	vst v1  }
0x14: {  	s9 =	simm.s32 $0x0  }
0x15: {  	s10 =	simm.s32 $0x10;
	s11 =	simm.s32 $0x0;
	v3 =	vld [tilespmem:s9+$0x0]  }
.LBB2_4:
0x16: {  	p0 =	sne.s32 s10, $0xC70;
	_ =	sdelay $0x1  }
0x17: {  	v4 =	vor.u32 s9, v2;
	s9 =	smov.u32 s10  }
0x18: {  	vm0 =	vge.u32 v4, v0  }
0x19: {  	(xrf1) =	vunique.msk.u32 vm0, v3;
	_ =	sdelay $0xd  }
0x1a: {  	_, v4, vm1 =	vpop (xrf1)  }
0x1b: {  	vm0 =	vmand vm0, vm1;
	_ =	sdelay $0x2  }
.Ltmp1:
0x1c: {  	(pc) =	sbr.rel @p0 .LBB2_4-.Ltmp1, $3  }
0x1d: {  	_ =	sdelay $0x1  }
0x1e: {  	s11 =	sadd.s32 $0x10, s11;
	[tilespmem:v3+s7+$0x0] =	vst.idx.add.s32.msk vm0, v4  }
0x1f: {  	s10 =	sadd.s32 $0x10, s10;
	v3 =	vld [tilespmem:s11+$0x0]  }
0x20: {  	_ =	sdelay $0x1  }
0x21: {  	v4 =	vor.u32 s9, v2  }
0x22: {  	vm0 =	vge.u32 v4, v0  }
0x23: {  	(xrf1) =	vunique.msk.u32 vm0, v3;
	_ =	sdelay $0xd  }
0x24: {  	_, v63, vm1 =	vpop (xrf1)  }
0x25: {  	vm0 =	vmand vm0, vm1;
	_ =	sdelay $0x3  }
0x26: {  	s8 =	sadd.s32 $0x1, s8  }
0x27: {  	p0 =	sne.s32 s8, s5  }
.Ltmp2:
0x28: {  	[tilespmem:v3+s7+$0x0] =	vst.idx.add.s32.msk vm0, v63;
	(pc) =	sbr.rel @p0 .LBB2_1-.Ltmp2, $4  }
0x29: {  	[hbm4b:s4+s2] =	stream.linear.scatter [tilespmem:s7], [sflag:$0x1], $0x1000, $0x38;
	[tilespmem:$0x1C80] =	vst v63  }
0x2a: {  	_ =	swait.ge [sflag:s6], $0x1000  }
0x2b: {  	[sflag:s6] =	ssyncset.done $0x0  }
0x2c: {  	[sflag:s6] =	ssyncadd.s32 $0xFFFFF000  }
0x2d: {  	_ =	sfence.sel $0x180000  }
0x2e: {  	[bflag:$0x0] =	sbarrier.arrive $0xFFFF  }
0x2f: {  	p0 =	sne.s32 s0, $0x0;
	_ =	strace $0x90000047  }
0x30: {  	s0 =	sadd.s32 @!p0 $0x100000, s1;
	[bflag:$0x2] =	sbarrier.arrive $0xFFFF  }
0x31: {  	[sflag:s0] =	ssyncadd.tile.s32 @!p0 $0x1;
	_ =	shalt  }
.Lfunc_end2:
_tile_overlayer_lowered:
.L_overlay_start_2:
0x32: {  	(tag) =	ssettag $0x2  }
0x33: {  	s0 =	rddreg [dreg:$0x0];
	s2 =	stileid.u32  }
0x34: {  	s1 =	rddreg [dreg:$0x1];
	p0 =	sne.s32 s2, $0x0  }
0x35: {  	s3 =	rddreg [dreg:$0x2];
	[bflag:$0x3] =	sbarrier.arrive $0xFFFF;
	s2 =	simm.s32 @!p0 $0x1C01  }
0x36: {  	[timem:s3], [sflag:s2] =	dma.local @!p0 [hbm:s0], s1  }
0x37: {  	s0 =	simm.s32 @!p0 $0x1  }
0x38: {  	_ =	swait.ge @!p0 [sflag:s0], s1  }
0x39: {  	s1 =	ssub.s32 @!p0 $0x0, s1;
	[sflag:s0] =	ssyncset.done @!p0 $0x0  }
0x3a: {  	[sflag:s0] =	ssyncadd.s32 @!p0 s1  }
0x3b: {  	[bflag:$0x3] =	sbarrier.arrive $0xFFFF  }
0x3c: {  	_ =	shalt  }

// kernel: kernel.9.cloned.1.call-start
scs
__scs_entry_jumppad:
0x0: {  	(pc) =	sbr.rel $0x88, $3  }
0x1: {  	(tag) =	ssettag $0x0;
	lr =	simm.s32 $0x1  }
0x2: {  	[smem:$0x3F9E] =	sst lr;
	_ =	strace $0xD0000000  }
0x3: {  	_ = 	snop  }
0x4: {  	_ = 	snop  }
0x5: {  	_ = 	snop  }
0x6: {  	_ = 	snop  }
0x7: {  	_ = 	snop  }
__scs_overlays_trampoline_lowered:
0x8: {  	[smem:$0x3FAD] =	sst s0  }
0x9: {  	[smem:$0x3FAE] =	sst s1  }
0xa: {  	[smem:$0x3FAF] =	sst s2  }
0xb: {  	[smem:$0x3FB0] =	sst s3  }
0xc: {  	[smem:$0x3FB1] =	sst s4  }
0xd: {  	[smem:$0x3FB2] =	sst s5  }
0xe: {  	[smem:$0x3FB3] =	sst s6  }
0xf: {  	[smem:$0x3FB4] =	sst s7  }
0x10: {  	[smem:$0x3FB5] =	sst s8  }
0x11: {  	[smem:$0x3FB6] =	sst s9;
	s0 =	simm.s32 @!p0 $0x0  }
0x12: {  	s1 =	sld [smem:$0x3F9C];
	s0 =	simm.s32 @p0 $0x1  }
0x13: {  	[smem:$0x3FB7] =	sst s0;
	s0 =	simm.s32 @!p1 $0x0  }
0x14: {  	s2 =	sld [smem:$0x3F9B];
	s0 =	simm.s32 @p1 $0x1  }
0x15: {  	[smem:$0x3FB8] =	sst s0;
	s0 =	simm.s32 @!p2 $0x0  }
0x16: {  	s3 =	sld [smem:$0x3FDB];
	s0 =	simm.s32 @p2 $0x1  }
0x17: {  	s4 =	simm.s32 $0x1BF5;
	[smem:$0x3FBA] =	sst s0  }
0x18: {  	s0 =	sld [smem:$0x3F9D];
	_ =	swait.ge [sflag:s4], $0x0  }
0x19: {  	s7 =	sld [smem:$0x3F9E]  }
0x1a: {  	s8 =	sadd.s32 $0xFFFFE003, lr  }
0x1b: {  	s9 =	sadd.s32 $0xFFFFFEF7, lr;
	s5 =	simm.s32 $0xFFFFFFFF;
	p2 =	slt.u32 s8, $0xFFFFF086  }
0x1c: {  	p1 =	slt.u32 s9, $0xF7A;
	s5 =	simm.s32 @!p2 $0x0  }
0x1d: {  	s5 =	simm.s32 @p1 $0x1;
	p0 =	seq.s32 s7, s2  }
0x1e: {  	s7 =	smul.u32 @!p0 $0xF7A, s2;
	p2 =	seq.s32 @!p0 s5, $0x0  }
0x1f: {  	s9 =	smul.u32 $0xF7A, s1;
	s8 =	simm.s32 @!p0 $0x1BF5;
	p2 =	por !p2, p0  }
0x20: {  	[sflag:s8] =	ssyncset.s32 @!p0 $0xFFFFF086;
	s6 =	sadd.s32 @!p0 s3, s7;
	s7 =	simm.s32 @!p0 $0x108  }
0x21: {  	s3 =	sadd.s32 s3, s9;
	s6 =	sadd.s32 @!p0 $0x88, s6;
	s7 =	simm.s32 @p2 $0x1082  }
0x22: {  	[simem:s7], [sflag:s8] =	dma.local @!p0 [hbm:s6], $0xF7A  }
0x23: {  	s9 =	sor.u32 $0xD0000000, s2;
	s6 =	simm.s32 $0x108;
	_ =	swait.ge @!p0 [sflag:s8], $0x0  }
0x24: {  	s3 =	sadd.s32 $0x88, s3;
	s6 =	simm.s32 @!p1 $0x1082;
	[sflag:s4] =	ssyncset.s32 $0xFFFFF086  }
0x25: {  	[simem:s6], [sflag:s4] =	dma.local [hbm:s3], $0xF7A  }
0x26: {  	[smem:$0x3F9E] =	sst s1;
	(tag) =	ssettag s2;
	_ =	strace s9  }
0x27: {  	s1 =	sld [smem:$0x3FAE]  }
0x28: {  	s2 =	sld [smem:$0x3FAF]  }
0x29: {  	s4 =	sld [smem:$0x3FB1]  }
0x2a: {  	p0 =	seq.s32 s5, $0x0;
	s5 =	sld [smem:$0x3FB2]  }
0x2b: {  	s6 =	sld [smem:$0x3FB3]  }
0x2c: {  	s7 =	sld [smem:$0x3FB4]  }
0x2d: {  	s3 =	simm.s32 $0x108;
	s8 =	sld [smem:$0x3FB5]  }
0x2e: {  	s3 =	simm.s32 @!p0 $0x1082;
	s9 =	sld [smem:$0x3FB6]  }
0x2f: {  	lr =	sadd.s32 s0, s3;
	s0 =	sld [smem:$0x3FAD]  }
0x30: {  	s3 =	sld [smem:$0x3FB0]  }
0x31: {  	[smem:$0x3FB9] =	sst s10  }
0x32: {  	s10 =	sld [smem:$0x3FB7];
	_ =	sdelay $0x3  }
0x33: {  	p0 =	seq.s32 s10, $0x1;
	s10 =	sld [smem:$0x3FB9];
	_ =	sdelay $0x3  }
0x34: {  	[smem:$0x3FB9] =	sst s10  }
0x35: {  	s10 =	sld [smem:$0x3FB8];
	_ =	sdelay $0x3  }
0x36: {  	p1 =	seq.s32 s10, $0x1;
	s10 =	sld [smem:$0x3FB9];
	_ =	sdelay $0x3  }
0x37: {  	[smem:$0x3FB9] =	sst s10  }
0x38: {  	s10 =	sld [smem:$0x3FBA]  }
0x39: {  	_ = 	snop;
	(pc) =	sbr.ind lr, $3  }
0x3a: {  	_ = 	snop  }
0x3b: {  	_ = 	snop  }
0x3c: {  	p2 =	seq.s32 s10, $0x1;
	s10 =	sld [smem:$0x3FB9]  }
0x3d: {  	_ =	shalt  }
0x3e: {  	_ =	shalt  }
0x3f: {  	_ =	shalt  }
0x40: {  	_ =	shalt  }
0x41: {  	_ =	shalt  }
0x42: {  	_ =	shalt  }
0x43: {  	_ =	shalt  }
0x44: {  	_ =	shalt  }
0x45: {  	_ =	shalt  }
0x46: {  	_ =	shalt  }
0x47: {  	_ =	shalt  }
0x48: {  	_ =	shalt  }
0x49: {  	_ =	shalt  }
0x4a: {  	_ =	shalt  }
0x4b: {  	_ =	shalt  }
0x4c: {  	_ =	shalt  }
0x4d: {  	_ =	shalt  }
0x4e: {  	_ =	shalt  }
0x4f: {  	_ =	shalt  }
0x50: {  	_ =	shalt  }
0x51: {  	_ =	shalt  }
0x52: {  	_ =	shalt  }
0x53: {  	_ =	shalt  }
0x54: {  	_ =	shalt  }
0x55: {  	_ =	shalt  }
0x56: {  	_ =	shalt  }
0x57: {  	_ =	shalt  }
0x58: {  	_ =	shalt  }
0x59: {  	_ =	shalt  }
0x5a: {  	_ =	shalt  }
0x5b: {  	_ =	shalt  }
0x5c: {  	_ =	shalt  }
0x5d: {  	_ =	shalt  }
0x5e: {  	_ =	shalt  }
0x5f: {  	_ =	shalt  }
0x60: {  	_ =	shalt  }
0x61: {  	_ =	shalt  }
0x62: {  	_ =	shalt  }
0x63: {  	_ =	shalt  }
0x64: {  	_ =	shalt  }
0x65: {  	_ =	shalt  }
0x66: {  	_ =	shalt  }
0x67: {  	_ =	shalt  }
0x68: {  	_ =	shalt  }
0x69: {  	_ =	shalt  }
0x6a: {  	_ =	shalt  }
0x6b: {  	_ =	shalt  }
0x6c: {  	_ =	shalt  }
0x6d: {  	_ =	shalt  }
0x6e: {  	_ =	shalt  }
0x6f: {  	_ =	shalt  }
0x70: {  	_ =	shalt  }
0x71: {  	_ =	shalt  }
0x72: {  	_ =	shalt  }
0x73: {  	_ =	shalt  }
0x74: {  	_ =	shalt  }
0x75: {  	_ =	shalt  }
0x76: {  	_ =	shalt  }
0x77: {  	_ =	shalt  }
0x78: {  	_ =	shalt  }
0x79: {  	_ =	shalt  }
0x7a: {  	_ =	shalt  }
0x7b: {  	_ =	shalt  }
0x7c: {  	_ =	shalt  }
0x7d: {  	_ =	shalt  }
0x7e: {  	_ =	shalt  }
0x7f: {  	_ =	shalt  }
0x80: {  	_ =	shalt  }
0x81: {  	_ =	shalt  }
0x82: {  	_ =	shalt  }
0x83: {  	_ =	shalt  }
0x84: {  	_ =	shalt  }
0x85: {  	_ =	shalt  }
0x86: {  	_ =	shalt  }
0x87: {  	_ =	shalt  }
.Lfunc_end0:
.L_simem_size_0:
called_computation.1_lowered:
.L_overlay_start_0:
0x88: {  	s2 =	sld [smem:$0x3FD9]  }
0x89: {  	s3 =	sld [smem:$0x3FFE];
	_ =	sdelay $0x1  }
0x8a: {  	s1 =	srdreg.scid  }
0x8b: {  	s0 =	sand.u32 $0x1, s1  }
0x8c: {  	s14 =	sshll.u32 s0, $0xA;
	s2 =	sadd.s32 s3, s2  }
0x8d: {  	s2 =	sadd.s32 s2, s14  }
0x8e: {  	[smem:$0x3FC5] =	sst s2  }
0x8f: {  	_ = 	snop  }
0x90: {  	s2 =	sld [smem:$0x3FD0];
	_ =	sdelay $0x2  }
0x91: {  	s4 =	simm.s32 $0xA;
	s5 =	simm.s32 $0x10;
	s15 =	sld [smem:$0x3FC7]  }
0x92: {  	[smem:s5], [sflag:s4] =	dma.local [hbm:s2], $0x1  }
0x93: {  	_ =	swait.eq [sflag:s4], $0x1  }
0x94: {  	[sflag:s4] =	ssyncset.done $0x0  }
0x95: {  	[sflag:s4] =	ssyncadd.s32 $0xFFFFFFFF  }
0x96: {  	s16 =	sld [smem:$0x11];
	(tm) =	ssettm $0x1  }
0x97: {  	s17 =	sld [smem:$0x3FFB];
	_ =	sdelay $0x3  }
0x98: {  	_ =	strace s17  }
0x99: {  	s4 =	sld [smem:$0x3FFC];
	_ =	sdelay $0x3  }
0x9a: {  	_ =	strace s4  }
0x9b: {  	s4 =	sld [smem:$0x3FFD];
	_ =	sdelay $0x3  }
0x9c: {  	_ =	strace s4  }
0x9d: {  	_ =	strace $0x8FFFFFFF  }
0x9e: {  	s18 =	sld [smem:$0x3FDB];
	_ =	sdelay $0x1  }
0x9f: {  	s19 =	simm.s32 $_scs_section_size  }
0xa0: {  	s6 =	simm.s32 $_size__tile_overlayer_lowered;
	s7 =	simm.s32 $_tile_overlayer_lowered  }
0xa1: {  	s22 =	simm.s32 $0x1BFF;
	s21 =	sshll.u32 s7, $0x1;
	s4 =	sadd.s32 s19, s18  }
0xa2: {  	s8 =	simm.s32 $0x0;
	s20 =	sshll.u32 s6, $0x1;
	s6 =	sadd.s32 s21, s4  }
0xa3: {  	[timem:s8], [sflag:s22] =	dma.local [hbm:s6], s20  }
0xa4: {  	_ =	swait.ge [sflag:s22], s20  }
0xa5: {  	s5 =	ssub.s32 $0x0, s20;
	[sflag:s22] =	ssyncset.done $0x0  }
0xa6: {  	[sflag:s22] =	ssyncadd.s32 s5;
	_ =	sdelay $0x1  }
0xa7: {  	s23 =	simm.s32 $0x1B8B  }
0xa8: {  	_ =	swait.ge [sflag:s23], $0x1  }
0xa9: {  	[sflag:s23] =	ssyncset.done $0x0  }
0xaa: {  	s25 =	simm.s32 $0x1B8E;
	s24 =	sld [smem:$0x3FFE];
	[sflag:s23] =	ssyncadd.s32 $0xFFFFFFFF  }
0xab: {  	s26 =	simm.s32 $execute0_lowered;
	[smem:$0x3FD2] =	sst s25  }
0xac: {  	s6 =	sshll.u32 s26, $0x1;
	_ =	strace $0x80000049;
	[dreg:$0x1] =	wrdreg $0xFFFFFFFF  }
0xad: {  	s28 =	simm.s32 $_size_execute0_lowered;
	s4 =	sadd.s32 s4, s6;
	[dreg:$0x0] =	wrdreg $0x0  }
0xae: {  	s6 =	sshll.u32 s28, $0x1;
	[dreg:$0x2] =	wrdreg s4  }
0xaf: {  	[dreg:$0x3] =	wrdreg s6  }
0xb0: {  	[dreg:$0x4] =	wrdreg $0xC0  }
0xb1: {  	_ =	task [dreg:s8], $0x5FFFF  }
0xb2: {  	[dreg:$0x1] =	wrdreg $0xFFFFFFFF  }
0xb3: {  	[dreg:$0x0] =	wrdreg $0x60  }
0xb4: {  	[dreg:$0x2] =	wrdreg s24  }
0xb5: {  	[dreg:$0x3] =	wrdreg s15  }
0xb6: {  	[dreg:$0x4] =	wrdreg s16  }
0xb7: {  	[dreg:$0x5] =	wrdreg $0x9  }
0xb8: {  	_ =	task.clear_ibuf [dreg:s8], $0x6FFFF;
	_ =	strace $0x90000049  }
0xb9: {  	s29 =	simm.s32 $0x9;
	_ =	strace $0x8000004B  }
0xba: {  	_ =	swait.ge [sflag:s29], $0x1  }
0xbb: {  	[sflag:s29] =	ssyncadd.s32 $0xFFFFFFFF  }
0xbc: {  	_ =	strace $0x9000004B  }
0xbd: {  	_ =	sfence  }
0xbe: {  	s30 =	sld [smem:$0x0];
	_ =	sdelay $0x2  }
0xbf: {  	s31 =	sshll.u32 s1, $0xD;
	s1 =	sshrl.u32 s1, $0x2  }
0xc0: {  	s3 =	sand.u32 $0x4000, s31;
	s1 =	sadd.s32 s1, s30  }
0xc1: {  	s0 =	sor.u32 s3, s0;
	s1 =	sshll.u32 s1, $0x11  }
0xc2: {  	s0 =	sor.u32 s1, s0  }
0xc3: {  	s0 =	sadd.s32 $0x8F2B, s0  }
0xc4: {  	[sflag:s0] =	ssyncadd.remote.s32 $0x1  }
0xc5: {  	_ =	sfence.sel $0xFFFF  }
0xc6: {  	[dreg:$0x0] =	wrdreg $0xFFFFFFFF;
	(pc) =	sbr.abs _section_cstart, $3  }
0xc7: {  	[dreg:$0x1] =	wrdreg $0xFFFFFFFF  }
0xc8: {  	_ =	task.clear_ibuf [dreg:s8], $0x2FFFF;
	_ =	strace $0x9FFFFFFF  }
0xc9: {  	(tm) =	ssettm $0x7FFFFFFF  }
tec
execute0_lowered:
.L_overlay_start_1:
0x0: {  	(tag) =	ssettag $0x1  }
0x1: {  	s1 =	srdreg.scid;
	s3 =	rddreg [dreg:$0x0]  }
0x2: {  	s0 =	stileid.u32;
	s5 =	rddreg [dreg:$0x1]  }
0x3: {  	s6 =	rddreg [dreg:$0x2];
	s2 =	simm.s32 $0x0;
	s13 =	simm.s32 $0x1  }
0x4: {  	s14 =	simm.s32 $0x7C80;
	s15 =	simm.s32 $0x8900;
	s16 =	simm.s32 $0x9580  }
0x5: {  	s17 =	simm.s32 $0xA200;
	s4 =	sand.u32 $0x1, s1;
	s31 =	sshll.u32 s0, $0x1  }
0x6: {  	s18 =	simm.s32 $0xAE80;
	s19 =	simm.s32 $0xBB00;
	s1 =	sor.u32 s4, s31  }
0x7: {  	s20 =	simm.s32 $0xC780;
	s21 =	simm.s32 $0x0;
	s7 =	smul.u32 $0xC80, s1  }
0x8: {  	[smem:$0x7FF] =	sst s2;
	s3 =	sadd.s32 $0x200, s3;
	s8 =	ssub.s32 $0x2, s4  }
0x9: {  	s1 =	rddreg [dreg:$0x3];
	s9 =	sshrl.u32 s8, $0x1;
	s7 =	smin.u32 s7, $0x17A20  }
0xa: {  	_ =	strace $0x8000004A;
	s12 =	ssub.s32 s8, s9;
	s7 =	sshrl.u32 s7, $0x3  }
0xb: {  	s12 =	smax.u32 s12, $0x1;
	s4 =	sadd.s32 s6, s7;
	s5 =	sadd.s32 s5, s7  }
0xc: {  	s6 =	sadd.s32 $0x3200, s4;
	s7 =	sadd.s32 $0x6400, s4;
	s8 =	sadd.s32 $0x9600, s4  }
0xd: {  	s9 =	sadd.s32 $0xC800, s4;
	s10 =	sadd.s32 $0xFA00, s4;
	s11 =	sadd.s32 $0x12C00, s4  }
.LBB2_1:
0xe: {  	[tilespmem:s2], [sflag:$0x1] =	stream.linear.gather [hbm4b:s3+s2], $0x7000, $0x38;
	[tilespmem:$0xD400] =	vst v63  }
0xf: {  	_ =	swait.ge [sflag:s13], $0x7000  }
0x10: {  	[sflag:s13] =	ssyncset.done $0x0  }
0x11: {  	s22 =	simm.s32 $0x7000;
	[sflag:s13] =	ssyncadd.s32 $0xFFFF9000  }
0x12: {  	[tilespmem:s22], [sflag:$0x1] =	stream.linear.gather [hbm4b:s5+s2], $0xC80, $0x38;
	[tilespmem:$0xD400] =	vst v63  }
0x13: {  	_ =	swait.ge [sflag:s13], $0xC80  }
0x14: {  	[sflag:s13] =	ssyncset.done $0x0  }
0x15: {  	[sflag:s13] =	ssyncadd.s32 $0xFFFFF380  }
0x16: {  	v0 =	vld [tilespmem:s22+$0x0];
	_ =	sdelay $0x7  }
0x17: {  	v1 =	vld.idx.msk [tilespmem:v0+s2+$0x0], $0xffff  }
0x18: {  	v2 =	vadd.s32 $0x1000, v0;
	_ =	sdelay $0x3  }
0x19: {  	[tilespmem:s14+$0x0] =	vst v1  }
0x1a: {  	v1 =	vld.idx.msk [tilespmem:v2+s2+$0x0], $0xffff  }
0x1b: {  	v60 =	vadd.s32 $0x2000, v0;
	_ =	sdelay $0x2  }
0x1c: {  	s31 =	sand.u32 $0xFF0, s2  }
0x1d: {  	[tilespmem:s31+$0x8900] =	vst v1  }
0x1e: {  	v1 =	vld.idx.msk [tilespmem:v60+s2+$0x0], $0xffff  }
0x1f: {  	v61 =	vadd.s32 $0x3000, v0;
	_ =	sdelay $0x3  }
0x20: {  	[tilespmem:s31+$0x9580] =	vst v1  }
0x21: {  	v1 =	vld.idx.msk [tilespmem:v61+s2+$0x0], $0xffff  }
0x22: {  	v62 =	vadd.s32 $0x4000, v0;
	_ =	sdelay $0x3  }
0x23: {  	[tilespmem:s31+$0xA200] =	vst v1  }
0x24: {  	v1 =	vld.idx.msk [tilespmem:v62+s2+$0x0], $0xffff  }
0x25: {  	v63 =	vadd.s32 $0x5000, v0;
	_ =	sdelay $0x3  }
0x26: {  	[tilespmem:s31+$0xAE80] =	vst v1  }
0x27: {  	v1 =	vld.idx.msk [tilespmem:v63+s2+$0x0], $0xffff  }
0x28: {  	v0 =	vadd.s32 $0x6000, v0;
	_ =	sdelay $0x3  }
0x29: {  	[tilespmem:s31+$0xBB00] =	vst v1  }
0x2a: {  	v0 =	vld.idx.msk [tilespmem:v0+s2+$0x0], $0xffff;
	_ =	sdelay $0x4  }
0x2b: {  	s23 =	simm.s32 $0x10;
	s24 =	simm.s32 $0x7C80;
	s22 =	simm.s32 $0x7010;
	[tilespmem:s31+$0xC780] =	vst v0  }
.LBB2_2:
0x2c: {  	v0 =	vld [tilespmem:s22+$0x0];
	p0 =	sne.s32 s23, $0xC70;
	_ =	sdelay $0x4  }
0x2d: {  	v1 =	vadd.s32 $0x6000, v0;
	_ =	sdelay $0x2  }
0x2e: {  	v2 =	vld.idx.msk [tilespmem:v0+s2+$0x0], $0xffff;
	_ =	sdelay $0x1  }
0x2f: {  	v3 =	vadd.s32 $0x1000, v0;
	_ =	sdelay $0x2  }
0x30: {  	s24 =	sadd.s32 $0x10, s24  }
0x31: {  	[tilespmem:s24+$0x0] =	vst v2  }
0x32: {  	v2 =	vld.idx.msk [tilespmem:v3+s2+$0x0], $0xffff;
	_ =	sdelay $0x1  }
0x33: {  	v3 =	vadd.s32 $0x2000, v0;
	_ =	sdelay $0x2  }
0x34: {  	s25 =	sand.u32 $0xFF0, s23  }
0x35: {  	[tilespmem:s25+$0x8900] =	vst v2  }
0x36: {  	v2 =	vld.idx.msk [tilespmem:v3+s2+$0x0], $0xffff;
	_ =	sdelay $0x1  }
0x37: {  	v3 =	vadd.s32 $0x3000, v0;
	_ =	sdelay $0x3  }
0x38: {  	[tilespmem:s25+$0x9580] =	vst v2  }
0x39: {  	v2 =	vld.idx.msk [tilespmem:v3+s2+$0x0], $0xffff;
	_ =	sdelay $0x1  }
0x3a: {  	v3 =	vadd.s32 $0x4000, v0;
	_ =	sdelay $0x3  }
0x3b: {  	[tilespmem:s25+$0xA200] =	vst v2  }
0x3c: {  	v2 =	vld.idx.msk [tilespmem:v3+s2+$0x0], $0xffff;
	_ =	sdelay $0x1  }
0x3d: {  	v0 =	vadd.s32 $0x5000, v0;
	_ =	sdelay $0x3  }
0x3e: {  	[tilespmem:s25+$0xAE80] =	vst v2  }
0x3f: {  	v0 =	vld.idx.msk [tilespmem:v0+s2+$0x0], $0xffff;
	_ =	sdelay $0x5  }
0x40: {  	[tilespmem:s25+$0xBB00] =	vst v0  }
0x41: {  	v0 =	vld.idx.msk [tilespmem:v1+s2+$0x0], $0xffff;
	_ =	sdelay $0x1  }
.Ltmp0:
0x42: {  	(pc) =	sbr.rel @p0 .LBB2_2-.Ltmp0, $2  }
0x43: {  	_ =	sdelay $0x2  }
0x44: {  	s22 =	sadd.s32 $0x10, s22;
	s23 =	sadd.s32 $0x10, s23;
	[tilespmem:s25+$0xC780] =	vst v0  }
0x45: {  	[hbm4b:s4+s2] =	stream.linear.scatter [tilespmem:s14], [sflag:$0x1], $0xC80, $0x38;
	[tilespmem:$0xD400] =	vst v63  }
0x46: {  	_ =	swait.ge [sflag:s13], $0xC80  }
0x47: {  	[sflag:s13] =	ssyncset.done $0x0  }
0x48: {  	[sflag:s13] =	ssyncadd.s32 $0xFFFFF380  }
0x49: {  	[hbm4b:s6+s2] =	stream.linear.scatter [tilespmem:s15], [sflag:$0x1], $0xC80, $0x38;
	[tilespmem:$0xD400] =	vst v63  }
0x4a: {  	_ =	swait.ge [sflag:s13], $0xC80  }
0x4b: {  	[sflag:s13] =	ssyncset.done $0x0  }
0x4c: {  	[sflag:s13] =	ssyncadd.s32 $0xFFFFF380  }
0x4d: {  	[hbm4b:s7+s2] =	stream.linear.scatter [tilespmem:s16], [sflag:$0x1], $0xC80, $0x38;
	[tilespmem:$0xD400] =	vst v63  }
0x4e: {  	_ =	swait.ge [sflag:s13], $0xC80  }
0x4f: {  	[sflag:s13] =	ssyncset.done $0x0  }
0x50: {  	[sflag:s13] =	ssyncadd.s32 $0xFFFFF380  }
0x51: {  	[hbm4b:s8+s2] =	stream.linear.scatter [tilespmem:s17], [sflag:$0x1], $0xC80, $0x38;
	[tilespmem:$0xD400] =	vst v63  }
0x52: {  	_ =	swait.ge [sflag:s13], $0xC80  }
0x53: {  	[sflag:s13] =	ssyncset.done $0x0  }
0x54: {  	[sflag:s13] =	ssyncadd.s32 $0xFFFFF380  }
0x55: {  	[hbm4b:s9+s2] =	stream.linear.scatter [tilespmem:s18], [sflag:$0x1], $0xC80, $0x38;
	[tilespmem:$0xD400] =	vst v63  }
0x56: {  	_ =	swait.ge [sflag:s13], $0xC80  }
0x57: {  	[sflag:s13] =	ssyncset.done $0x0  }
0x58: {  	[sflag:s13] =	ssyncadd.s32 $0xFFFFF380  }
0x59: {  	[hbm4b:s10+s2] =	stream.linear.scatter [tilespmem:s19], [sflag:$0x1], $0xC80, $0x38;
	[tilespmem:$0xD400] =	vst v63  }
0x5a: {  	s21 =	sadd.s32 $0x1, s21;
	_ =	swait.ge [sflag:s13], $0xC80  }
0x5b: {  	p0 =	sne.s32 s21, s12;
	[sflag:s13] =	ssyncset.done $0x0  }
.Ltmp1:
0x5c: {  	[sflag:s13] =	ssyncadd.s32 $0xFFFFF380;
	(pc) =	sbr.rel @p0 .LBB2_1-.Ltmp1, $4  }
0x5d: {  	[hbm4b:s11+s2] =	stream.linear.scatter [tilespmem:s20], [sflag:$0x1], $0xC80, $0x38;
	[tilespmem:$0xD400] =	vst v63  }
0x5e: {  	_ =	swait.ge [sflag:s13], $0xC80  }
0x5f: {  	[sflag:s13] =	ssyncset.done $0x0  }
0x60: {  	[sflag:s13] =	ssyncadd.s32 $0xFFFFF380  }
0x61: {  	_ =	sfence.sel $0x180000  }
0x62: {  	[bflag:$0x0] =	sbarrier.arrive $0xFFFF  }
0x63: {  	p0 =	sne.s32 s0, $0x0;
	_ =	strace $0x9000004A  }
0x64: {  	s0 =	sadd.s32 @!p0 $0x100000, s1;
	[bflag:$0x2] =	sbarrier.arrive $0xFFFF  }
0x65: {  	[sflag:s0] =	ssyncadd.tile.s32 @!p0 $0x1;
	_ =	shalt  }
.Lfunc_end2:
_tile_overlayer_lowered:
.L_overlay_start_2:
0x66: {  	(tag) =	ssettag $0x2  }
0x67: {  	s0 =	rddreg [dreg:$0x0];
	s2 =	stileid.u32  }
0x68: {  	s1 =	rddreg [dreg:$0x1];
	p0 =	sne.s32 s2, $0x0  }
0x69: {  	s3 =	rddreg [dreg:$0x2];
	[bflag:$0x3] =	sbarrier.arrive $0xFFFF;
	s2 =	simm.s32 @!p0 $0x1C01  }
0x6a: {  	[timem:s3], [sflag:s2] =	dma.local @!p0 [hbm:s0], s1  }
0x6b: {  	s0 =	simm.s32 @!p0 $0x1  }
0x6c: {  	_ =	swait.ge @!p0 [sflag:s0], s1  }
0x6d: {  	s1 =	ssub.s32 @!p0 $0x0, s1;
	[sflag:s0] =	ssyncset.done @!p0 $0x0  }
0x6e: {  	[sflag:s0] =	ssyncadd.s32 @!p0 s1  }
0x6f: {  	[bflag:$0x3] =	sbarrier.arrive $0xFFFF  }
0x70: {  	_ =	shalt  }

</sc_bundles>
